<compile_context>
chip_gen: v7x
topology: tpu7x:2x2x1
jax: 0.10.2.dev20260603
libtpu: 0.0.44.dev20260713+nightly
codegen_flags: <defaults>
</compile_context>

<pallas_src>
import functools

import jax
import jax.numpy as jnp
from jax import lax
from jax.experimental import pallas as pl
from jax.experimental.pallas import tpu as pltpu
from jax.experimental.pallas import tpu_sc as plsc

B = 16384
D = 32
H0 = 64
H1 = 32
NROWS = 1000000
NW = 32
BPW = B // NW
CH = 128
NCH = BPW // CH
TC_COLS = 32768


PACK = 128 // D
QROWS = TC_COLS // PACK
NPACKED = pl.cdiv(NROWS, TC_COLS) * QROWS


def _transpose_body(in_ref, out_ref):
    x = in_ref[...]
    lane = lax.broadcasted_iota(jnp.int32, (D, 128), 1)
    row = lax.broadcasted_iota(jnp.int32, (D, 128), 0)
    acc = None
    for m in range(PACK):
        e = jnp.where(lane == m * D + row, 1.0, 0.0)
        xm = x[:, m * QROWS:(m + 1) * QROWS]
        part = lax.dot_general(xm, e, (((0,), (0,)), ((), ())),
                               preferred_element_type=jnp.float32)
        acc = part if acc is None else acc + part
    out_ref[...] = acc


def _transpose_pack(tT):
    grid = pl.cdiv(NROWS, TC_COLS)
    return pl.pallas_call(
        _transpose_body,
        grid=(grid,),
        in_specs=[pl.BlockSpec((D, TC_COLS), lambda i: (0, i))],
        out_specs=pl.BlockSpec((QROWS, 128), lambda i: (i, 0)),
        out_shape=jax.ShapeDtypeStruct((NPACKED, 128), jnp.float32),
        compiler_params=pltpu.CompilerParams(
            fuse_transposed_lhs_in_matmul=True),
    )(tT)


def _gather_sc(idx, tbl128):
    mesh = plsc.VectorSubcoreMesh(core_axis_name="c", subcore_axis_name="s")

    @functools.partial(
        pl.kernel,
        mesh=mesh,
        out_type=jax.ShapeDtypeStruct((B, 128), jnp.float32),
        scratch_types=[
            pltpu.VMEM((NCH, CH), jnp.int32),
            pltpu.VMEM((BPW, 128), jnp.float32),
            pltpu.SemaphoreType.DMA,
        ],
    )
    def gather_kernel(idx_hbm, tbl_hbm, out_hbm, vidx, rows, sem):
        wid = lax.axis_index("s") * 2 + lax.axis_index("c")
        base = wid * BPW
        for j in range(NCH):
            pltpu.sync_copy(idx_hbm.at[pl.ds(base + j * CH, CH)], vidx.at[j])
        copies = [
            pltpu.async_copy(
                tbl_hbm.at[vidx.at[j]], rows.at[pl.ds(j * CH, CH)], sem)
            for j in range(NCH)
        ]
        for c in copies:
            c.wait()
        pltpu.sync_copy(rows, out_hbm.at[pl.ds(base, BPW)])

    return gather_kernel(idx, tbl128)


def _mlp_body(ue_ref, ie_ref, um_ref, im_ref, w0u_ref, w0i_ref, b0_ref,
              w1_ref, b1_ref, wo_ref, bo_ref, out_ref):
    ue = ue_ref[...] * um_ref[...].astype(jnp.float32)
    ie = ie_ref[...] * im_ref[...].astype(jnp.float32)
    x0 = jnp.dot(ue, w0u_ref[...], preferred_element_type=jnp.float32)
    x0 += jnp.dot(ie, w0i_ref[...], preferred_element_type=jnp.float32)
    x0 = jnp.maximum(x0 + b0_ref[...], 0.0)
    x1 = jnp.maximum(
        jnp.dot(x0, w1_ref[...], preferred_element_type=jnp.float32)
        + b1_ref[...], 0.0)
    z = jnp.sum(x1 * wo_ref[...], axis=1, keepdims=True) + bo_ref[...]
    out_ref[...] = 1.0 / (1.0 + jnp.exp(-z))


def _mlp_tc(ue, ie, umask, imask, W0u, W0i, b0, W1, b1, wout_row, bout,
            interpret=False):
    Bb = 8192
    return pl.pallas_call(
        _mlp_body,
        grid=(B // Bb,),
        in_specs=[
            pl.BlockSpec((Bb, 128), lambda i: (i, 0)),
            pl.BlockSpec((Bb, 128), lambda i: (i, 0)),
            pl.BlockSpec((Bb, 128), lambda i: (i, 0)),
            pl.BlockSpec((Bb, 128), lambda i: (i, 0)),
            pl.BlockSpec((128, H0), lambda i: (0, 0)),
            pl.BlockSpec((128, H0), lambda i: (0, 0)),
            pl.BlockSpec((1, H0), lambda i: (0, 0)),
            pl.BlockSpec((H0, H1), lambda i: (0, 0)),
            pl.BlockSpec((1, H1), lambda i: (0, 0)),
            pl.BlockSpec((1, H1), lambda i: (0, 0)),
            pl.BlockSpec((1, 1), lambda i: (0, 0)),
        ],
        out_specs=pl.BlockSpec((Bb, 1), lambda i: (i, 0)),
        out_shape=jax.ShapeDtypeStruct((B, 1), jnp.float32),
        interpret=interpret,
    )(ue, ie, umask, imask, W0u, W0i, b0, W1, b1, wout_row, bout)


def kernel(user, item, user_table, item_table, W0, b0, W1, b1, Wout, bout):
    user = user.astype(jnp.int32)
    item = item.astype(jnp.int32)
    uq = (user // TC_COLS) * QROWS + (user % QROWS)
    iq = (item // TC_COLS) * QROWS + (item % QROWS)
    ut128 = _transpose_pack(user_table.T)
    ue = _gather_sc(uq, ut128)
    it128 = _transpose_pack(item_table.T)
    ie = _gather_sc(iq, it128)
    usel = ((user % TC_COLS) // QROWS).reshape(B, 1)
    isel = ((item % TC_COLS) // QROWS).reshape(B, 1)
    lane_grp = (jnp.arange(128, dtype=jnp.int32) // D).reshape(1, 128)
    umask = (lane_grp == usel).astype(jnp.bfloat16)
    imask = (lane_grp == isel).astype(jnp.bfloat16)
    W0us = jnp.concatenate([W0[:D]] * PACK, axis=0)
    W0is = jnp.concatenate([W0[D:]] * PACK, axis=0)
    return _mlp_tc(ue, ie, umask, imask, W0us, W0is, b0.reshape(1, H0), W1,
                   b1.reshape(1, H1), Wout.reshape(1, H1),
                   bout.reshape(1, 1))

# --- scband reference (transcript-rebuilt; emitter-appended) ---
"""Pipeline reference for scband-neural-cf-24910810317592 (READ-ONLY COPY).

The authoritative reference and input builder live on the scoring server;
editing this copy changes nothing except your own understanding.
"""

import jax, jax.numpy as jnp
import numpy as np

NUM_USERS = 1000000
NUM_ITEMS = 1000000
EMBED_DIM = 32
BATCH = 16384
HIDDEN = [64, 32]


def setup_inputs(seed: int = 0) -> dict:
    key = jax.random.key(seed)
    ks = jax.random.split(key, 12)
    user = jax.random.randint(ks[0], (BATCH,), 0, NUM_USERS, dtype=jnp.int64) if jax.config.jax_enable_x64 else jax.random.randint(ks[0], (BATCH,), 0, NUM_USERS).astype(jnp.int32)
    item = jax.random.randint(ks[1], (BATCH,), 0, NUM_ITEMS).astype(user.dtype)
    user_table = jax.random.normal(ks[2], (NUM_USERS, EMBED_DIM), dtype=jnp.float32) * 0.05
    item_table = jax.random.normal(ks[3], (NUM_ITEMS, EMBED_DIM), dtype=jnp.float32) * 0.05
    in_dim = EMBED_DIM * 2
    W0 = jax.random.normal(ks[4], (in_dim, HIDDEN[0]), dtype=jnp.float32) * (1.0 / np.sqrt(in_dim))
    b0 = jnp.zeros((HIDDEN[0],), dtype=jnp.float32)
    W1 = jax.random.normal(ks[5], (HIDDEN[0], HIDDEN[1]), dtype=jnp.float32) * (1.0 / np.sqrt(HIDDEN[0]))
    b1 = jnp.zeros((HIDDEN[1],), dtype=jnp.float32)
    Wout = jax.random.normal(ks[6], (HIDDEN[1], 1), dtype=jnp.float32) * (1.0 / np.sqrt(HIDDEN[1]))
    bout = jnp.zeros((1,), dtype=jnp.float32)
    return {"user": user, "item": item, "user_table": user_table, "item_table": item_table,
            "W0": W0, "b0": b0, "W1": W1, "b1": b1, "Wout": Wout, "bout": bout}


def reference(user, item, user_table, item_table, W0, b0, W1, b1, Wout, bout):
    user_emb = jnp.take(user_table, user, axis=0)
    item_emb = jnp.take(item_table, item, axis=0)
    x = jnp.concatenate([user_emb, item_emb], axis=-1)
    x = jax.nn.relu(x @ W0 + b0)
    x = jax.nn.relu(x @ W1 + b1)
    x = x @ Wout + bout
    return jax.nn.sigmoid(x)

if __name__ == "__main__":
    import jax
    _d = setup_inputs()
    print(jax.jit(kernel)(*tuple(_d.values())))

</pallas_src>

<mosaic_0001>
#map = affine_map<(d0, d1) -> (0)>
#map1 = affine_map<(d0, d1) -> (0, 0)>
module attributes {stable_mosaic.version = 14 : i64} {
  func.func @gather_kernel(%arg0: i32, %arg1: i32, %arg2: memref<16384xi32, #tpu.memory_space<hbm>>, %arg3: memref<253952x128xf32, #tpu.memory_space<hbm>>, %arg4: memref<16384x128xf32, #tpu.memory_space<hbm>>, %arg5: memref<4x128xi32, #tpu.memory_space<vmem>>, %arg6: memref<512x128xf32, #tpu.memory_space<vmem>>, %arg7: memref<!tpu.dma_semaphore, #tpu.memory_space<semaphore_mem>>) attributes {dimension_semantics = [#tpu.dimension_semantics<core_parallel>, #tpu.dimension_semantics<subcore_parallel>], iteration_bounds = array<i64: 2, 16>, scalar_prefetch = 0 : i64, scratch_operands = 3 : i64, tpu.core_type = #tpu.core_type<sc_vector_subcore>, window_params = [{transform_indices = #map}, {transform_indices = #map1}, {transform_indices = #map1}]} {
    %mul3A = arith.constant 2 : i32
    %mul3A_0 = arith.muli %arg1, %mul3A : i32
    %add3A = arith.addi %mul3A_0, %arg0 : i32
    %mul3A_1 = arith.constant 512 : i32
    %mul3A_2 = arith.muli %add3A, %mul3A_1 : i32
    %add3A_3 = arith.constant 0 : i32
    %add3A_4 = arith.addi %mul3A_2, %add3A_3 : i32
    %run_scoped3A = arith.constant 0 : i32
    "tpu.region"() ({
      %run_scoped3A_92 = tpu.sem_alloc : memref<!tpu.dma_semaphore, #tpu.memory_space<semaphore_mem>>
      %dma_start3A_93 = arith.constant 0 : i32
      %dma_start3A_94 = tpu.memref_slice %arg5[%run_scoped3A, %dma_start3A_93] : memref<4x128xi32, #tpu.memory_space<vmem>> -> memref<1x128xi32, #tpu.memory_space<vmem>>
      %dma_start3A_95 = tpu.memref_squeeze %dma_start3A_94 : memref<1x128xi32, #tpu.memory_space<vmem>> -> memref<128xi32, #tpu.memory_space<vmem>>
      %dma_start3A_96 = tpu.memref_slice %arg2[%add3A_4] : memref<16384xi32, #tpu.memory_space<hbm>> -> memref<128xi32, #tpu.memory_space<hbm>>
      %dma_start3A_97 = arith.constant 0 : i32
      %dma_start3A_98 = tpu.memref_slice %arg5[%run_scoped3A, %dma_start3A_97] : memref<4x128xi32, #tpu.memory_space<vmem>> -> memref<1x128xi32, #tpu.memory_space<vmem>>
      %dma_start3A_99 = tpu.memref_squeeze %dma_start3A_98 : memref<1x128xi32, #tpu.memory_space<vmem>> -> memref<128xi32, #tpu.memory_space<vmem>>
      %dma_start3A_100 = tpu.memref_slice %arg2[%add3A_4] : memref<16384xi32, #tpu.memory_space<hbm>> -> memref<128xi32, #tpu.memory_space<hbm>>
      tpu.enqueue_dma source(%dma_start3A_100 : memref<128xi32, #tpu.memory_space<hbm>>) target(%dma_start3A_99 : memref<128xi32, #tpu.memory_space<vmem>>) target_semaphore(%run_scoped3A_92 : memref<!tpu.dma_semaphore, #tpu.memory_space<semaphore_mem>>)
      %dma_wait3A_101 = arith.constant 0 : i32
      %dma_wait3A_102 = tpu.memref_slice %arg5[%run_scoped3A, %dma_wait3A_101] : memref<4x128xi32, #tpu.memory_space<vmem>> -> memref<1x128xi32, #tpu.memory_space<vmem>>
      %dma_wait3A_103 = tpu.memref_squeeze %dma_wait3A_102 : memref<1x128xi32, #tpu.memory_space<vmem>> -> memref<128xi32, #tpu.memory_space<vmem>>
      %dma_wait3A_104 = tpu.memref_slice %arg2[%add3A_4] : memref<16384xi32, #tpu.memory_space<hbm>> -> memref<128xi32, #tpu.memory_space<hbm>>
      %dma_wait3A_105 = arith.constant 0 : i32
      %dma_wait3A_106 = tpu.memref_slice %arg5[%run_scoped3A, %dma_wait3A_105] : memref<4x128xi32, #tpu.memory_space<vmem>> -> memref<1x128xi32, #tpu.memory_space<vmem>>
      %dma_wait3A_107 = tpu.memref_squeeze %dma_wait3A_106 : memref<1x128xi32, #tpu.memory_space<vmem>> -> memref<128xi32, #tpu.memory_space<vmem>>
      %dma_wait3A_108 = tpu.memref_slice %arg2[%add3A_4] : memref<16384xi32, #tpu.memory_space<hbm>> -> memref<128xi32, #tpu.memory_space<hbm>>
      tpu.wait_dma2 semaphore(%run_scoped3A_92 : memref<!tpu.dma_semaphore, #tpu.memory_space<semaphore_mem>>) src(%dma_wait3A_108 : memref<128xi32, #tpu.memory_space<hbm>>) dst(%dma_wait3A_107 : memref<128xi32, #tpu.memory_space<vmem>>)
      tpu.yield
    }) : () -> ()
    %add3A_5 = arith.constant 128 : i32
    %add3A_6 = arith.addi %mul3A_2, %add3A_5 : i32
    %run_scoped3A_7 = arith.constant 1 : i32
    "tpu.region"() ({
      %run_scoped3A_92 = tpu.sem_alloc : memref<!tpu.dma_semaphore, #tpu.memory_space<semaphore_mem>>
      %dma_start3A_93 = arith.constant 0 : i32
      %dma_start3A_94 = tpu.memref_slice %arg5[%run_scoped3A_7, %dma_start3A_93] : memref<4x128xi32, #tpu.memory_space<vmem>> -> memref<1x128xi32, #tpu.memory_space<vmem>>
      %dma_start3A_95 = tpu.memref_squeeze %dma_start3A_94 : memref<1x128xi32, #tpu.memory_space<vmem>> -> memref<128xi32, #tpu.memory_space<vmem>>
      %dma_start3A_96 = tpu.memref_slice %arg2[%add3A_6] : memref<16384xi32, #tpu.memory_space<hbm>> -> memref<128xi32, #tpu.memory_space<hbm>>
      %dma_start3A_97 = arith.constant 0 : i32
      %dma_start3A_98 = tpu.memref_slice %arg5[%run_scoped3A_7, %dma_start3A_97] : memref<4x128xi32, #tpu.memory_space<vmem>> -> memref<1x128xi32, #tpu.memory_space<vmem>>
      %dma_start3A_99 = tpu.memref_squeeze %dma_start3A_98 : memref<1x128xi32, #tpu.memory_space<vmem>> -> memref<128xi32, #tpu.memory_space<vmem>>
      %dma_start3A_100 = tpu.memref_slice %arg2[%add3A_6] : memref<16384xi32, #tpu.memory_space<hbm>> -> memref<128xi32, #tpu.memory_space<hbm>>
      tpu.enqueue_dma source(%dma_start3A_100 : memref<128xi32, #tpu.memory_space<hbm>>) target(%dma_start3A_99 : memref<128xi32, #tpu.memory_space<vmem>>) target_semaphore(%run_scoped3A_92 : memref<!tpu.dma_semaphore, #tpu.memory_space<semaphore_mem>>)
      %dma_wait3A_101 = arith.constant 0 : i32
      %dma_wait3A_102 = tpu.memref_slice %arg5[%run_scoped3A_7, %dma_wait3A_101] : memref<4x128xi32, #tpu.memory_space<vmem>> -> memref<1x128xi32, #tpu.memory_space<vmem>>
      %dma_wait3A_103 = tpu.memref_squeeze %dma_wait3A_102 : memref<1x128xi32, #tpu.memory_space<vmem>> -> memref<128xi32, #tpu.memory_space<vmem>>
      %dma_wait3A_104 = tpu.memref_slice %arg2[%add3A_6] : memref<16384xi32, #tpu.memory_space<hbm>> -> memref<128xi32, #tpu.memory_space<hbm>>
      %dma_wait3A_105 = arith.constant 0 : i32
      %dma_wait3A_106 = tpu.memref_slice %arg5[%run_scoped3A_7, %dma_wait3A_105] : memref<4x128xi32, #tpu.memory_space<vmem>> -> memref<1x128xi32, #tpu.memory_space<vmem>>
      %dma_wait3A_107 = tpu.memref_squeeze %dma_wait3A_106 : memref<1x128xi32, #tpu.memory_space<vmem>> -> memref<128xi32, #tpu.memory_space<vmem>>
      %dma_wait3A_108 = tpu.memref_slice %arg2[%add3A_6] : memref<16384xi32, #tpu.memory_space<hbm>> -> memref<128xi32, #tpu.memory_space<hbm>>
      tpu.wait_dma2 semaphore(%run_scoped3A_92 : memref<!tpu.dma_semaphore, #tpu.memory_space<semaphore_mem>>) src(%dma_wait3A_108 : memref<128xi32, #tpu.memory_space<hbm>>) dst(%dma_wait3A_107 : memref<128xi32, #tpu.memory_space<vmem>>)
      tpu.yield
    }) : () -> ()
    %add3A_8 = arith.constant 256 : i32
    %add3A_9 = arith.addi %mul3A_2, %add3A_8 : i32
    %run_scoped3A_10 = arith.constant 2 : i32
    "tpu.region"() ({
      %run_scoped3A_92 = tpu.sem_alloc : memref<!tpu.dma_semaphore, #tpu.memory_space<semaphore_mem>>
      %dma_start3A_93 = arith.constant 0 : i32
      %dma_start3A_94 = tpu.memref_slice %arg5[%run_scoped3A_10, %dma_start3A_93] : memref<4x128xi32, #tpu.memory_space<vmem>> -> memref<1x128xi32, #tpu.memory_space<vmem>>
      %dma_start3A_95 = tpu.memref_squeeze %dma_start3A_94 : memref<1x128xi32, #tpu.memory_space<vmem>> -> memref<128xi32, #tpu.memory_space<vmem>>
      %dma_start3A_96 = tpu.memref_slice %arg2[%add3A_9] : memref<16384xi32, #tpu.memory_space<hbm>> -> memref<128xi32, #tpu.memory_space<hbm>>
      %dma_start3A_97 = arith.constant 0 : i32
      %dma_start3A_98 = tpu.memref_slice %arg5[%run_scoped3A_10, %dma_start3A_97] : memref<4x128xi32, #tpu.memory_space<vmem>> -> memref<1x128xi32, #tpu.memory_space<vmem>>
      %dma_start3A_99 = tpu.memref_squeeze %dma_start3A_98 : memref<1x128xi32, #tpu.memory_space<vmem>> -> memref<128xi32, #tpu.memory_space<vmem>>
      %dma_start3A_100 = tpu.memref_slice %arg2[%add3A_9] : memref<16384xi32, #tpu.memory_space<hbm>> -> memref<128xi32, #tpu.memory_space<hbm>>
      tpu.enqueue_dma source(%dma_start3A_100 : memref<128xi32, #tpu.memory_space<hbm>>) target(%dma_start3A_99 : memref<128xi32, #tpu.memory_space<vmem>>) target_semaphore(%run_scoped3A_92 : memref<!tpu.dma_semaphore, #tpu.memory_space<semaphore_mem>>)
      %dma_wait3A_101 = arith.constant 0 : i32
      %dma_wait3A_102 = tpu.memref_slice %arg5[%run_scoped3A_10, %dma_wait3A_101] : memref<4x128xi32, #tpu.memory_space<vmem>> -> memref<1x128xi32, #tpu.memory_space<vmem>>
      %dma_wait3A_103 = tpu.memref_squeeze %dma_wait3A_102 : memref<1x128xi32, #tpu.memory_space<vmem>> -> memref<128xi32, #tpu.memory_space<vmem>>
      %dma_wait3A_104 = tpu.memref_slice %arg2[%add3A_9] : memref<16384xi32, #tpu.memory_space<hbm>> -> memref<128xi32, #tpu.memory_space<hbm>>
      %dma_wait3A_105 = arith.constant 0 : i32
      %dma_wait3A_106 = tpu.memref_slice %arg5[%run_scoped3A_10, %dma_wait3A_105] : memref<4x128xi32, #tpu.memory_space<vmem>> -> memref<1x128xi32, #tpu.memory_space<vmem>>
      %dma_wait3A_107 = tpu.memref_squeeze %dma_wait3A_106 : memref<1x128xi32, #tpu.memory_space<vmem>> -> memref<128xi32, #tpu.memory_space<vmem>>
      %dma_wait3A_108 = tpu.memref_slice %arg2[%add3A_9] : memref<16384xi32, #tpu.memory_space<hbm>> -> memref<128xi32, #tpu.memory_space<hbm>>
      tpu.wait_dma2 semaphore(%run_scoped3A_92 : memref<!tpu.dma_semaphore, #tpu.memory_space<semaphore_mem>>) src(%dma_wait3A_108 : memref<128xi32, #tpu.memory_space<hbm>>) dst(%dma_wait3A_107 : memref<128xi32, #tpu.memory_space<vmem>>)
      tpu.yield
    }) : () -> ()
    %add3A_11 = arith.constant 384 : i32
    %add3A_12 = arith.addi %mul3A_2, %add3A_11 : i32
    %run_scoped3A_13 = arith.constant 3 : i32
    "tpu.region"() ({
      %run_scoped3A_92 = tpu.sem_alloc : memref<!tpu.dma_semaphore, #tpu.memory_space<semaphore_mem>>
      %dma_start3A_93 = arith.constant 0 : i32
      %dma_start3A_94 = tpu.memref_slice %arg5[%run_scoped3A_13, %dma_start3A_93] : memref<4x128xi32, #tpu.memory_space<vmem>> -> memref<1x128xi32, #tpu.memory_space<vmem>>
      %dma_start3A_95 = tpu.memref_squeeze %dma_start3A_94 : memref<1x128xi32, #tpu.memory_space<vmem>> -> memref<128xi32, #tpu.memory_space<vmem>>
      %dma_start3A_96 = tpu.memref_slice %arg2[%add3A_12] : memref<16384xi32, #tpu.memory_space<hbm>> -> memref<128xi32, #tpu.memory_space<hbm>>
      %dma_start3A_97 = arith.constant 0 : i32
      %dma_start3A_98 = tpu.memref_slice %arg5[%run_scoped3A_13, %dma_start3A_97] : memref<4x128xi32, #tpu.memory_space<vmem>> -> memref<1x128xi32, #tpu.memory_space<vmem>>
      %dma_start3A_99 = tpu.memref_squeeze %dma_start3A_98 : memref<1x128xi32, #tpu.memory_space<vmem>> -> memref<128xi32, #tpu.memory_space<vmem>>
      %dma_start3A_100 = tpu.memref_slice %arg2[%add3A_12] : memref<16384xi32, #tpu.memory_space<hbm>> -> memref<128xi32, #tpu.memory_space<hbm>>
      tpu.enqueue_dma source(%dma_start3A_100 : memref<128xi32, #tpu.memory_space<hbm>>) target(%dma_start3A_99 : memref<128xi32, #tpu.memory_space<vmem>>) target_semaphore(%run_scoped3A_92 : memref<!tpu.dma_semaphore, #tpu.memory_space<semaphore_mem>>)
      %dma_wait3A_101 = arith.constant 0 : i32
      %dma_wait3A_102 = tpu.memref_slice %arg5[%run_scoped3A_13, %dma_wait3A_101] : memref<4x128xi32, #tpu.memory_space<vmem>> -> memref<1x128xi32, #tpu.memory_space<vmem>>
      %dma_wait3A_103 = tpu.memref_squeeze %dma_wait3A_102 : memref<1x128xi32, #tpu.memory_space<vmem>> -> memref<128xi32, #tpu.memory_space<vmem>>
      %dma_wait3A_104 = tpu.memref_slice %arg2[%add3A_12] : memref<16384xi32, #tpu.memory_space<hbm>> -> memref<128xi32, #tpu.memory_space<hbm>>
      %dma_wait3A_105 = arith.constant 0 : i32
      %dma_wait3A_106 = tpu.memref_slice %arg5[%run_scoped3A_13, %dma_wait3A_105] : memref<4x128xi32, #tpu.memory_space<vmem>> -> memref<1x128xi32, #tpu.memory_space<vmem>>
      %dma_wait3A_107 = tpu.memref_squeeze %dma_wait3A_106 : memref<1x128xi32, #tpu.memory_space<vmem>> -> memref<128xi32, #tpu.memory_space<vmem>>
      %dma_wait3A_108 = tpu.memref_slice %arg2[%add3A_12] : memref<16384xi32, #tpu.memory_space<hbm>> -> memref<128xi32, #tpu.memory_space<hbm>>
      tpu.wait_dma2 semaphore(%run_scoped3A_92 : memref<!tpu.dma_semaphore, #tpu.memory_space<semaphore_mem>>) src(%dma_wait3A_108 : memref<128xi32, #tpu.memory_space<hbm>>) dst(%dma_wait3A_107 : memref<128xi32, #tpu.memory_space<vmem>>)
      tpu.yield
    }) : () -> ()
    %dma_start3A = arith.constant 0 : i32
    %dma_start3A_14 = arith.constant 0 : i32
    %dma_start3A_15 = arith.constant 0 : i32
    %dma_start3A_16 = tpu.memref_slice %arg6[%dma_start3A_14, %dma_start3A_15] : memref<512x128xf32, #tpu.memory_space<vmem>> -> memref<128x128xf32, #tpu.memory_space<vmem>>
    %dma_start3A_17 = arith.constant 0 : i32
    %dma_start3A_18 = tpu.memref_slice %arg5[%dma_start3A, %dma_start3A_17] : memref<4x128xi32, #tpu.memory_space<vmem>> -> memref<1x128xi32, #tpu.memory_space<vmem>>
    %dma_start3A_19 = tpu.memref_squeeze %dma_start3A_18 : memref<1x128xi32, #tpu.memory_space<vmem>> -> memref<128xi32, #tpu.memory_space<vmem>>
    %dma_start3A_20 = arith.constant 0 : i32
    %dma_start3A_21 = arith.constant 0 : i32
    %dma_start3A_22 = tpu.memref_slice %arg3[%dma_start3A_20, %dma_start3A_21] : memref<253952x128xf32, #tpu.memory_space<hbm>> -> memref<253952x128xf32, #tpu.memory_space<hbm>>
    tpu.enqueue_indirect_dma source(%dma_start3A_22 : memref<253952x128xf32, #tpu.memory_space<hbm>>) target(%dma_start3A_16 : memref<128x128xf32, #tpu.memory_space<vmem>>) offsets(%dma_start3A_19 : memref<128xi32, #tpu.memory_space<vmem>>) semaphore(%arg7 : memref<!tpu.dma_semaphore, #tpu.memory_space<semaphore_mem>>)
    %dma_start3A_23 = arith.constant 1 : i32
    %dma_start3A_24 = arith.constant 128 : i32
    %dma_start3A_25 = arith.constant 0 : i32
    %dma_start3A_26 = tpu.memref_slice %arg6[%dma_start3A_24, %dma_start3A_25] : memref<512x128xf32, #tpu.memory_space<vmem>> -> memref<128x128xf32, #tpu.memory_space<vmem>>
    %dma_start3A_27 = arith.constant 0 : i32
    %dma_start3A_28 = tpu.memref_slice %arg5[%dma_start3A_23, %dma_start3A_27] : memref<4x128xi32, #tpu.memory_space<vmem>> -> memref<1x128xi32, #tpu.memory_space<vmem>>
    %dma_start3A_29 = tpu.memref_squeeze %dma_start3A_28 : memref<1x128xi32, #tpu.memory_space<vmem>> -> memref<128xi32, #tpu.memory_space<vmem>>
    %dma_start3A_30 = arith.constant 0 : i32
    %dma_start3A_31 = arith.constant 0 : i32
    %dma_start3A_32 = tpu.memref_slice %arg3[%dma_start3A_30, %dma_start3A_31] : memref<253952x128xf32, #tpu.memory_space<hbm>> -> memref<253952x128xf32, #tpu.memory_space<hbm>>
    tpu.enqueue_indirect_dma source(%dma_start3A_32 : memref<253952x128xf32, #tpu.memory_space<hbm>>) target(%dma_start3A_26 : memref<128x128xf32, #tpu.memory_space<vmem>>) offsets(%dma_start3A_29 : memref<128xi32, #tpu.memory_space<vmem>>) semaphore(%arg7 : memref<!tpu.dma_semaphore, #tpu.memory_space<semaphore_mem>>)
    %dma_start3A_33 = arith.constant 2 : i32
    %dma_start3A_34 = arith.constant 256 : i32
    %dma_start3A_35 = arith.constant 0 : i32
    %dma_start3A_36 = tpu.memref_slice %arg6[%dma_start3A_34, %dma_start3A_35] : memref<512x128xf32, #tpu.memory_space<vmem>> -> memref<128x128xf32, #tpu.memory_space<vmem>>
    %dma_start3A_37 = arith.constant 0 : i32
    %dma_start3A_38 = tpu.memref_slice %arg5[%dma_start3A_33, %dma_start3A_37] : memref<4x128xi32, #tpu.memory_space<vmem>> -> memref<1x128xi32, #tpu.memory_space<vmem>>
    %dma_start3A_39 = tpu.memref_squeeze %dma_start3A_38 : memref<1x128xi32, #tpu.memory_space<vmem>> -> memref<128xi32, #tpu.memory_space<vmem>>
    %dma_start3A_40 = arith.constant 0 : i32
    %dma_start3A_41 = arith.constant 0 : i32
    %dma_start3A_42 = tpu.memref_slice %arg3[%dma_start3A_40, %dma_start3A_41] : memref<253952x128xf32, #tpu.memory_space<hbm>> -> memref<253952x128xf32, #tpu.memory_space<hbm>>
    tpu.enqueue_indirect_dma source(%dma_start3A_42 : memref<253952x128xf32, #tpu.memory_space<hbm>>) target(%dma_start3A_36 : memref<128x128xf32, #tpu.memory_space<vmem>>) offsets(%dma_start3A_39 : memref<128xi32, #tpu.memory_space<vmem>>) semaphore(%arg7 : memref<!tpu.dma_semaphore, #tpu.memory_space<semaphore_mem>>)
    %dma_start3A_43 = arith.constant 3 : i32
    %dma_start3A_44 = arith.constant 384 : i32
    %dma_start3A_45 = arith.constant 0 : i32
    %dma_start3A_46 = tpu.memref_slice %arg6[%dma_start3A_44, %dma_start3A_45] : memref<512x128xf32, #tpu.memory_space<vmem>> -> memref<128x128xf32, #tpu.memory_space<vmem>>
    %dma_start3A_47 = arith.constant 0 : i32
    %dma_start3A_48 = tpu.memref_slice %arg5[%dma_start3A_43, %dma_start3A_47] : memref<4x128xi32, #tpu.memory_space<vmem>> -> memref<1x128xi32, #tpu.memory_space<vmem>>
    %dma_start3A_49 = tpu.memref_squeeze %dma_start3A_48 : memref<1x128xi32, #tpu.memory_space<vmem>> -> memref<128xi32, #tpu.memory_space<vmem>>
    %dma_start3A_50 = arith.constant 0 : i32
    %dma_start3A_51 = arith.constant 0 : i32
    %dma_start3A_52 = tpu.memref_slice %arg3[%dma_start3A_50, %dma_start3A_51] : memref<253952x128xf32, #tpu.memory_space<hbm>> -> memref<253952x128xf32, #tpu.memory_space<hbm>>
    tpu.enqueue_indirect_dma source(%dma_start3A_52 : memref<253952x128xf32, #tpu.memory_space<hbm>>) target(%dma_start3A_46 : memref<128x128xf32, #tpu.memory_space<vmem>>) offsets(%dma_start3A_49 : memref<128xi32, #tpu.memory_space<vmem>>) semaphore(%arg7 : memref<!tpu.dma_semaphore, #tpu.memory_space<semaphore_mem>>)
    %dma_wait3A = arith.constant 0 : i32
    %dma_wait3A_53 = arith.constant 0 : i32
    %dma_wait3A_54 = arith.constant 0 : i32
    %dma_wait3A_55 = tpu.memref_slice %arg6[%dma_wait3A_53, %dma_wait3A_54] : memref<512x128xf32, #tpu.memory_space<vmem>> -> memref<128x128xf32, #tpu.memory_space<vmem>>
    %dma_wait3A_56 = arith.constant 0 : i32
    %dma_wait3A_57 = tpu.memref_slice %arg5[%dma_wait3A, %dma_wait3A_56] : memref<4x128xi32, #tpu.memory_space<vmem>> -> memref<1x128xi32, #tpu.memory_space<vmem>>
    %dma_wait3A_58 = tpu.memref_squeeze %dma_wait3A_57 : memref<1x128xi32, #tpu.memory_space<vmem>> -> memref<128xi32, #tpu.memory_space<vmem>>
    %dma_wait3A_59 = arith.constant 0 : i32
    %dma_wait3A_60 = arith.constant 0 : i32
    %dma_wait3A_61 = tpu.memref_slice %arg3[%dma_wait3A_59, %dma_wait3A_60] : memref<253952x128xf32, #tpu.memory_space<hbm>> -> memref<253952x128xf32, #tpu.memory_space<hbm>>
    tpu.wait_indirect_dma semaphore(%arg7 : memref<!tpu.dma_semaphore, #tpu.memory_space<semaphore_mem>>) src(%dma_wait3A_61 : memref<253952x128xf32, #tpu.memory_space<hbm>>) dst(%dma_wait3A_55 : memref<128x128xf32, #tpu.memory_space<vmem>>)
    %dma_wait3A_62 = arith.constant 1 : i32
    %dma_wait3A_63 = arith.constant 128 : i32
    %dma_wait3A_64 = arith.constant 0 : i32
    %dma_wait3A_65 = tpu.memref_slice %arg6[%dma_wait3A_63, %dma_wait3A_64] : memref<512x128xf32, #tpu.memory_space<vmem>> -> memref<128x128xf32, #tpu.memory_space<vmem>>
    %dma_wait3A_66 = arith.constant 0 : i32
    %dma_wait3A_67 = tpu.memref_slice %arg5[%dma_wait3A_62, %dma_wait3A_66] : memref<4x128xi32, #tpu.memory_space<vmem>> -> memref<1x128xi32, #tpu.memory_space<vmem>>
    %dma_wait3A_68 = tpu.memref_squeeze %dma_wait3A_67 : memref<1x128xi32, #tpu.memory_space<vmem>> -> memref<128xi32, #tpu.memory_space<vmem>>
    %dma_wait3A_69 = arith.constant 0 : i32
    %dma_wait3A_70 = arith.constant 0 : i32
    %dma_wait3A_71 = tpu.memref_slice %arg3[%dma_wait3A_69, %dma_wait3A_70] : memref<253952x128xf32, #tpu.memory_space<hbm>> -> memref<253952x128xf32, #tpu.memory_space<hbm>>
    tpu.wait_indirect_dma semaphore(%arg7 : memref<!tpu.dma_semaphore, #tpu.memory_space<semaphore_mem>>) src(%dma_wait3A_71 : memref<253952x128xf32, #tpu.memory_space<hbm>>) dst(%dma_wait3A_65 : memref<128x128xf32, #tpu.memory_space<vmem>>)
    %dma_wait3A_72 = arith.constant 2 : i32
    %dma_wait3A_73 = arith.constant 256 : i32
    %dma_wait3A_74 = arith.constant 0 : i32
    %dma_wait3A_75 = tpu.memref_slice %arg6[%dma_wait3A_73, %dma_wait3A_74] : memref<512x128xf32, #tpu.memory_space<vmem>> -> memref<128x128xf32, #tpu.memory_space<vmem>>
    %dma_wait3A_76 = arith.constant 0 : i32
    %dma_wait3A_77 = tpu.memref_slice %arg5[%dma_wait3A_72, %dma_wait3A_76] : memref<4x128xi32, #tpu.memory_space<vmem>> -> memref<1x128xi32, #tpu.memory_space<vmem>>
    %dma_wait3A_78 = tpu.memref_squeeze %dma_wait3A_77 : memref<1x128xi32, #tpu.memory_space<vmem>> -> memref<128xi32, #tpu.memory_space<vmem>>
    %dma_wait3A_79 = arith.constant 0 : i32
    %dma_wait3A_80 = arith.constant 0 : i32
    %dma_wait3A_81 = tpu.memref_slice %arg3[%dma_wait3A_79, %dma_wait3A_80] : memref<253952x128xf32, #tpu.memory_space<hbm>> -> memref<253952x128xf32, #tpu.memory_space<hbm>>
    tpu.wait_indirect_dma semaphore(%arg7 : memref<!tpu.dma_semaphore, #tpu.memory_space<semaphore_mem>>) src(%dma_wait3A_81 : memref<253952x128xf32, #tpu.memory_space<hbm>>) dst(%dma_wait3A_75 : memref<128x128xf32, #tpu.memory_space<vmem>>)
    %dma_wait3A_82 = arith.constant 3 : i32
    %dma_wait3A_83 = arith.constant 384 : i32
    %dma_wait3A_84 = arith.constant 0 : i32
    %dma_wait3A_85 = tpu.memref_slice %arg6[%dma_wait3A_83, %dma_wait3A_84] : memref<512x128xf32, #tpu.memory_space<vmem>> -> memref<128x128xf32, #tpu.memory_space<vmem>>
    %dma_wait3A_86 = arith.constant 0 : i32
    %dma_wait3A_87 = tpu.memref_slice %arg5[%dma_wait3A_82, %dma_wait3A_86] : memref<4x128xi32, #tpu.memory_space<vmem>> -> memref<1x128xi32, #tpu.memory_space<vmem>>
    %dma_wait3A_88 = tpu.memref_squeeze %dma_wait3A_87 : memref<1x128xi32, #tpu.memory_space<vmem>> -> memref<128xi32, #tpu.memory_space<vmem>>
    %dma_wait3A_89 = arith.constant 0 : i32
    %dma_wait3A_90 = arith.constant 0 : i32
    %dma_wait3A_91 = tpu.memref_slice %arg3[%dma_wait3A_89, %dma_wait3A_90] : memref<253952x128xf32, #tpu.memory_space<hbm>> -> memref<253952x128xf32, #tpu.memory_space<hbm>>
    tpu.wait_indirect_dma semaphore(%arg7 : memref<!tpu.dma_semaphore, #tpu.memory_space<semaphore_mem>>) src(%dma_wait3A_91 : memref<253952x128xf32, #tpu.memory_space<hbm>>) dst(%dma_wait3A_85 : memref<128x128xf32, #tpu.memory_space<vmem>>)
    "tpu.region"() ({
      %run_scoped3A_92 = tpu.sem_alloc : memref<!tpu.dma_semaphore, #tpu.memory_space<semaphore_mem>>
      %dma_start3A_93 = arith.constant 0 : i32
      %dma_start3A_94 = tpu.memref_slice %arg4[%mul3A_2, %dma_start3A_93] : memref<16384x128xf32, #tpu.memory_space<hbm>> -> memref<512x128xf32, #tpu.memory_space<hbm>>
      %dma_start3A_95 = arith.constant 0 : i32
      %dma_start3A_96 = tpu.memref_slice %arg4[%mul3A_2, %dma_start3A_95] : memref<16384x128xf32, #tpu.memory_space<hbm>> -> memref<512x128xf32, #tpu.memory_space<hbm>>
      tpu.enqueue_dma source(%arg6 : memref<512x128xf32, #tpu.memory_space<vmem>>) target(%dma_start3A_96 : memref<512x128xf32, #tpu.memory_space<hbm>>) target_semaphore(%run_scoped3A_92 : memref<!tpu.dma_semaphore, #tpu.memory_space<semaphore_mem>>)
      %dma_wait3A_97 = arith.constant 0 : i32
      %dma_wait3A_98 = tpu.memref_slice %arg4[%mul3A_2, %dma_wait3A_97] : memref<16384x128xf32, #tpu.memory_space<hbm>> -> memref<512x128xf32, #tpu.memory_space<hbm>>
      %dma_wait3A_99 = arith.constant 0 : i32
      %dma_wait3A_100 = tpu.memref_slice %arg4[%mul3A_2, %dma_wait3A_99] : memref<16384x128xf32, #tpu.memory_space<hbm>> -> memref<512x128xf32, #tpu.memory_space<hbm>>
      tpu.wait_dma2 semaphore(%run_scoped3A_92 : memref<!tpu.dma_semaphore, #tpu.memory_space<semaphore_mem>>) src(%arg6 : memref<512x128xf32, #tpu.memory_space<vmem>>) dst(%dma_wait3A_100 : memref<512x128xf32, #tpu.memory_space<hbm>>)
      tpu.yield
    }) : () -> ()
    return
  }
}

#map = affine_map<(d0, d1) -> (0)>
#map1 = affine_map<(d0, d1) -> (0, 0)>
module attributes {stable_mosaic.version = 14 : i64} {
  func.func @gather_kernel(%arg0: i32, %arg1: i32, %arg2: memref<16384xi32, #tpu.memory_space<hbm>>, %arg3: memref<253952x128xf32, #tpu.memory_space<hbm>>, %arg4: memref<16384x128xf32, #tpu.memory_space<hbm>>, %arg5: memref<4x128xi32, #tpu.memory_space<vmem>>, %arg6: memref<512x128xf32, #tpu.memory_space<vmem>>, %arg7: memref<!tpu.dma_semaphore, #tpu.memory_space<semaphore_mem>>) attributes {dimension_semantics = [#tpu.dimension_semantics<core_parallel>, #tpu.dimension_semantics<subcore_parallel>], iteration_bounds = array<i64: 2, 16>, scalar_prefetch = 0 : i64, scratch_operands = 3 : i64, tpu.core_type = #tpu.core_type<sc_vector_subcore>, window_params = [{transform_indices = #map}, {transform_indices = #map1}, {transform_indices = #map1}]} {
    %mul3A = arith.constant 2 : i32
    %mul3A_0 = arith.muli %arg1, %mul3A : i32
    %add3A = arith.addi %mul3A_0, %arg0 : i32
    %mul3A_1 = arith.constant 512 : i32
    %mul3A_2 = arith.muli %add3A, %mul3A_1 : i32
    %add3A_3 = arith.constant 0 : i32
    %add3A_4 = arith.addi %mul3A_2, %add3A_3 : i32
    %run_scoped3A = arith.constant 0 : i32
    "tpu.region"() ({
      %run_scoped3A_92 = tpu.sem_alloc : memref<!tpu.dma_semaphore, #tpu.memory_space<semaphore_mem>>
      %dma_start3A_93 = arith.constant 0 : i32
      %dma_start3A_94 = tpu.memref_slice %arg5[%run_scoped3A, %dma_start3A_93] : memref<4x128xi32, #tpu.memory_space<vmem>> -> memref<1x128xi32, #tpu.memory_space<vmem>>
      %dma_start3A_95 = tpu.memref_squeeze %dma_start3A_94 : memref<1x128xi32, #tpu.memory_space<vmem>> -> memref<128xi32, #tpu.memory_space<vmem>>
      %dma_start3A_96 = tpu.memref_slice %arg2[%add3A_4] : memref<16384xi32, #tpu.memory_space<hbm>> -> memref<128xi32, #tpu.memory_space<hbm>>
      %dma_start3A_97 = arith.constant 0 : i32
      %dma_start3A_98 = tpu.memref_slice %arg5[%run_scoped3A, %dma_start3A_97] : memref<4x128xi32, #tpu.memory_space<vmem>> -> memref<1x128xi32, #tpu.memory_space<vmem>>
      %dma_start3A_99 = tpu.memref_squeeze %dma_start3A_98 : memref<1x128xi32, #tpu.memory_space<vmem>> -> memref<128xi32, #tpu.memory_space<vmem>>
      %dma_start3A_100 = tpu.memref_slice %arg2[%add3A_4] : memref<16384xi32, #tpu.memory_space<hbm>> -> memref<128xi32, #tpu.memory_space<hbm>>
      tpu.enqueue_dma source(%dma_start3A_100 : memref<128xi32, #tpu.memory_space<hbm>>) target(%dma_start3A_99 : memref<128xi32, #tpu.memory_space<vmem>>) target_semaphore(%run_scoped3A_92 : memref<!tpu.dma_semaphore, #tpu.memory_space<semaphore_mem>>)
      %dma_wait3A_101 = arith.constant 0 : i32
      %dma_wait3A_102 = tpu.memref_slice %arg5[%run_scoped3A, %dma_wait3A_101] : memref<4x128xi32, #tpu.memory_space<vmem>> -> memref<1x128xi32, #tpu.memory_space<vmem>>
      %dma_wait3A_103 = tpu.memref_squeeze %dma_wait3A_102 : memref<1x128xi32, #tpu.memory_space<vmem>> -> memref<128xi32, #tpu.memory_space<vmem>>
      %dma_wait3A_104 = tpu.memref_slice %arg2[%add3A_4] : memref<16384xi32, #tpu.memory_space<hbm>> -> memref<128xi32, #tpu.memory_space<hbm>>
      %dma_wait3A_105 = arith.constant 0 : i32
      %dma_wait3A_106 = tpu.memref_slice %arg5[%run_scoped3A, %dma_wait3A_105] : memref<4x128xi32, #tpu.memory_space<vmem>> -> memref<1x128xi32, #tpu.memory_space<vmem>>
      %dma_wait3A_107 = tpu.memref_squeeze %dma_wait3A_106 : memref<1x128xi32, #tpu.memory_space<vmem>> -> memref<128xi32, #tpu.memory_space<vmem>>
      %dma_wait3A_108 = tpu.memref_slice %arg2[%add3A_4] : memref<16384xi32, #tpu.memory_space<hbm>> -> memref<128xi32, #tpu.memory_space<hbm>>
      tpu.wait_dma2 semaphore(%run_scoped3A_92 : memref<!tpu.dma_semaphore, #tpu.memory_space<semaphore_mem>>) src(%dma_wait3A_108 : memref<128xi32, #tpu.memory_space<hbm>>) dst(%dma_wait3A_107 : memref<128xi32, #tpu.memory_space<vmem>>)
      tpu.yield
    }) : () -> ()
    %add3A_5 = arith.constant 128 : i32
    %add3A_6 = arith.addi %mul3A_2, %add3A_5 : i32
    %run_scoped3A_7 = arith.constant 1 : i32
    "tpu.region"() ({
      %run_scoped3A_92 = tpu.sem_alloc : memref<!tpu.dma_semaphore, #tpu.memory_space<semaphore_mem>>
      %dma_start3A_93 = arith.constant 0 : i32
      %dma_start3A_94 = tpu.memref_slice %arg5[%run_scoped3A_7, %dma_start3A_93] : memref<4x128xi32, #tpu.memory_space<vmem>> -> memref<1x128xi32, #tpu.memory_space<vmem>>
      %dma_start3A_95 = tpu.memref_squeeze %dma_start3A_94 : memref<1x128xi32, #tpu.memory_space<vmem>> -> memref<128xi32, #tpu.memory_space<vmem>>
      %dma_start3A_96 = tpu.memref_slice %arg2[%add3A_6] : memref<16384xi32, #tpu.memory_space<hbm>> -> memref<128xi32, #tpu.memory_space<hbm>>
      %dma_start3A_97 = arith.constant 0 : i32
      %dma_start3A_98 = tpu.memref_slice %arg5[%run_scoped3A_7, %dma_start3A_97] : memref<4x128xi32, #tpu.memory_space<vmem>> -> memref<1x128xi32, #tpu.memory_space<vmem>>
      %dma_start3A_99 = tpu.memref_squeeze %dma_start3A_98 : memref<1x128xi32, #tpu.memory_space<vmem>> -> memref<128xi32, #tpu.memory_space<vmem>>
      %dma_start3A_100 = tpu.memref_slice %arg2[%add3A_6] : memref<16384xi32, #tpu.memory_space<hbm>> -> memref<128xi32, #tpu.memory_space<hbm>>
      tpu.enqueue_dma source(%dma_start3A_100 : memref<128xi32, #tpu.memory_space<hbm>>) target(%dma_start3A_99 : memref<128xi32, #tpu.memory_space<vmem>>) target_semaphore(%run_scoped3A_92 : memref<!tpu.dma_semaphore, #tpu.memory_space<semaphore_mem>>)
      %dma_wait3A_101 = arith.constant 0 : i32
      %dma_wait3A_102 = tpu.memref_slice %arg5[%run_scoped3A_7, %dma_wait3A_101] : memref<4x128xi32, #tpu.memory_space<vmem>> -> memref<1x128xi32, #tpu.memory_space<vmem>>
      %dma_wait3A_103 = tpu.memref_squeeze %dma_wait3A_102 : memref<1x128xi32, #tpu.memory_space<vmem>> -> memref<128xi32, #tpu.memory_space<vmem>>
      %dma_wait3A_104 = tpu.memref_slice %arg2[%add3A_6] : memref<16384xi32, #tpu.memory_space<hbm>> -> memref<128xi32, #tpu.memory_space<hbm>>
      %dma_wait3A_105 = arith.constant 0 : i32
      %dma_wait3A_106 = tpu.memref_slice %arg5[%run_scoped3A_7, %dma_wait3A_105] : memref<4x128xi32, #tpu.memory_space<vmem>> -> memref<1x128xi32, #tpu.memory_space<vmem>>
      %dma_wait3A_107 = tpu.memref_squeeze %dma_wait3A_106 : memref<1x128xi32, #tpu.memory_space<vmem>> -> memref<128xi32, #tpu.memory_space<vmem>>
      %dma_wait3A_108 = tpu.memref_slice %arg2[%add3A_6] : memref<16384xi32, #tpu.memory_space<hbm>> -> memref<128xi32, #tpu.memory_space<hbm>>
      tpu.wait_dma2 semaphore(%run_scoped3A_92 : memref<!tpu.dma_semaphore, #tpu.memory_space<semaphore_mem>>) src(%dma_wait3A_108 : memref<128xi32, #tpu.memory_space<hbm>>) dst(%dma_wait3A_107 : memref<128xi32, #tpu.memory_space<vmem>>)
      tpu.yield
    }) : () -> ()
    %add3A_8 = arith.constant 256 : i32
    %add3A_9 = arith.addi %mul3A_2, %add3A_8 : i32
    %run_scoped3A_10 = arith.constant 2 : i32
    "tpu.region"() ({
      %run_scoped3A_92 = tpu.sem_alloc : memref<!tpu.dma_semaphore, #tpu.memory_space<semaphore_mem>>
      %dma_start3A_93 = arith.constant 0 : i32
      %dma_start3A_94 = tpu.memref_slice %arg5[%run_scoped3A_10, %dma_start3A_93] : memref<4x128xi32, #tpu.memory_space<vmem>> -> memref<1x128xi32, #tpu.memory_space<vmem>>
      %dma_start3A_95 = tpu.memref_squeeze %dma_start3A_94 : memref<1x128xi32, #tpu.memory_space<vmem>> -> memref<128xi32, #tpu.memory_space<vmem>>
      %dma_start3A_96 = tpu.memref_slice %arg2[%add3A_9] : memref<16384xi32, #tpu.memory_space<hbm>> -> memref<128xi32, #tpu.memory_space<hbm>>
      %dma_start3A_97 = arith.constant 0 : i32
      %dma_start3A_98 = tpu.memref_slice %arg5[%run_scoped3A_10, %dma_start3A_97] : memref<4x128xi32, #tpu.memory_space<vmem>> -> memref<1x128xi32, #tpu.memory_space<vmem>>
      %dma_start3A_99 = tpu.memref_squeeze %dma_start3A_98 : memref<1x128xi32, #tpu.memory_space<vmem>> -> memref<128xi32, #tpu.memory_space<vmem>>
      %dma_start3A_100 = tpu.memref_slice %arg2[%add3A_9] : memref<16384xi32, #tpu.memory_space<hbm>> -> memref<128xi32, #tpu.memory_space<hbm>>
      tpu.enqueue_dma source(%dma_start3A_100 : memref<128xi32, #tpu.memory_space<hbm>>) target(%dma_start3A_99 : memref<128xi32, #tpu.memory_space<vmem>>) target_semaphore(%run_scoped3A_92 : memref<!tpu.dma_semaphore, #tpu.memory_space<semaphore_mem>>)
      %dma_wait3A_101 = arith.constant 0 : i32
      %dma_wait3A_102 = tpu.memref_slice %arg5[%run_scoped3A_10, %dma_wait3A_101] : memref<4x128xi32, #tpu.memory_space<vmem>> -> memref<1x128xi32, #tpu.memory_space<vmem>>
      %dma_wait3A_103 = tpu.memref_squeeze %dma_wait3A_102 : memref<1x128xi32, #tpu.memory_space<vmem>> -> memref<128xi32, #tpu.memory_space<vmem>>
      %dma_wait3A_104 = tpu.memref_slice %arg2[%add3A_9] : memref<16384xi32, #tpu.memory_space<hbm>> -> memref<128xi32, #tpu.memory_space<hbm>>
      %dma_wait3A_105 = arith.constant 0 : i32
      %dma_wait3A_106 = tpu.memref_slice %arg5[%run_scoped3A_10, %dma_wait3A_105] : memref<4x128xi32, #tpu.memory_space<vmem>> -> memref<1x128xi32, #tpu.memory_space<vmem>>
      %dma_wait3A_107 = tpu.memref_squeeze %dma_wait3A_106 : memref<1x128xi32, #tpu.memory_space<vmem>> -> memref<128xi32, #tpu.memory_space<vmem>>
      %dma_wait3A_108 = tpu.memref_slice %arg2[%add3A_9] : memref<16384xi32, #tpu.memory_space<hbm>> -> memref<128xi32, #tpu.memory_space<hbm>>
      tpu.wait_dma2 semaphore(%run_scoped3A_92 : memref<!tpu.dma_semaphore, #tpu.memory_space<semaphore_mem>>) src(%dma_wait3A_108 : memref<128xi32, #tpu.memory_space<hbm>>) dst(%dma_wait3A_107 : memref<128xi32, #tpu.memory_space<vmem>>)
      tpu.yield
    }) : () -> ()
    %add3A_11 = arith.constant 384 : i32
    %add3A_12 = arith.addi %mul3A_2, %add3A_11 : i32
    %run_scoped3A_13 = arith.constant 3 : i32
    "tpu.region"() ({
      %run_scoped3A_92 = tpu.sem_alloc : memref<!tpu.dma_semaphore, #tpu.memory_space<semaphore_mem>>
      %dma_start3A_93 = arith.constant 0 : i32
      %dma_start3A_94 = tpu.memref_slice %arg5[%run_scoped3A_13, %dma_start3A_93] : memref<4x128xi32, #tpu.memory_space<vmem>> -> memref<1x128xi32, #tpu.memory_space<vmem>>
      %dma_start3A_95 = tpu.memref_squeeze %dma_start3A_94 : memref<1x128xi32, #tpu.memory_space<vmem>> -> memref<128xi32, #tpu.memory_space<vmem>>
      %dma_start3A_96 = tpu.memref_slice %arg2[%add3A_12] : memref<16384xi32, #tpu.memory_space<hbm>> -> memref<128xi32, #tpu.memory_space<hbm>>
      %dma_start3A_97 = arith.constant 0 : i32
      %dma_start3A_98 = tpu.memref_slice %arg5[%run_scoped3A_13, %dma_start3A_97] : memref<4x128xi32, #tpu.memory_space<vmem>> -> memref<1x128xi32, #tpu.memory_space<vmem>>
      %dma_start3A_99 = tpu.memref_squeeze %dma_start3A_98 : memref<1x128xi32, #tpu.memory_space<vmem>> -> memref<128xi32, #tpu.memory_space<vmem>>
      %dma_start3A_100 = tpu.memref_slice %arg2[%add3A_12] : memref<16384xi32, #tpu.memory_space<hbm>> -> memref<128xi32, #tpu.memory_space<hbm>>
      tpu.enqueue_dma source(%dma_start3A_100 : memref<128xi32, #tpu.memory_space<hbm>>) target(%dma_start3A_99 : memref<128xi32, #tpu.memory_space<vmem>>) target_semaphore(%run_scoped3A_92 : memref<!tpu.dma_semaphore, #tpu.memory_space<semaphore_mem>>)
      %dma_wait3A_101 = arith.constant 0 : i32
      %dma_wait3A_102 = tpu.memref_slice %arg5[%run_scoped3A_13, %dma_wait3A_101] : memref<4x128xi32, #tpu.memory_space<vmem>> -> memref<1x128xi32, #tpu.memory_space<vmem>>
      %dma_wait3A_103 = tpu.memref_squeeze %dma_wait3A_102 : memref<1x128xi32, #tpu.memory_space<vmem>> -> memref<128xi32, #tpu.memory_space<vmem>>
      %dma_wait3A_104 = tpu.memref_slice %arg2[%add3A_12] : memref<16384xi32, #tpu.memory_space<hbm>> -> memref<128xi32, #tpu.memory_space<hbm>>
      %dma_wait3A_105 = arith.constant 0 : i32
      %dma_wait3A_106 = tpu.memref_slice %arg5[%run_scoped3A_13, %dma_wait3A_105] : memref<4x128xi32, #tpu.memory_space<vmem>> -> memref<1x128xi32, #tpu.memory_space<vmem>>
      %dma_wait3A_107 = tpu.memref_squeeze %dma_wait3A_106 : memref<1x128xi32, #tpu.memory_space<vmem>> -> memref<128xi32, #tpu.memory_space<vmem>>
      %dma_wait3A_108 = tpu.memref_slice %arg2[%add3A_12] : memref<16384xi32, #tpu.memory_space<hbm>> -> memref<128xi32, #tpu.memory_space<hbm>>
      tpu.wait_dma2 semaphore(%run_scoped3A_92 : memref<!tpu.dma_semaphore, #tpu.memory_space<semaphore_mem>>) src(%dma_wait3A_108 : memref<128xi32, #tpu.memory_space<hbm>>) dst(%dma_wait3A_107 : memref<128xi32, #tpu.memory_space<vmem>>)
      tpu.yield
    }) : () -> ()
    %dma_start3A = arith.constant 0 : i32
    %dma_start3A_14 = arith.constant 0 : i32
    %dma_start3A_15 = arith.constant 0 : i32
    %dma_start3A_16 = tpu.memref_slice %arg6[%dma_start3A_14, %dma_start3A_15] : memref<512x128xf32, #tpu.memory_space<vmem>> -> memref<128x128xf32, #tpu.memory_space<vmem>>
    %dma_start3A_17 = arith.constant 0 : i32
    %dma_start3A_18 = tpu.memref_slice %arg5[%dma_start3A, %dma_start3A_17] : memref<4x128xi32, #tpu.memory_space<vmem>> -> memref<1x128xi32, #tpu.memory_space<vmem>>
    %dma_start3A_19 = tpu.memref_squeeze %dma_start3A_18 : memref<1x128xi32, #tpu.memory_space<vmem>> -> memref<128xi32, #tpu.memory_space<vmem>>
    %dma_start3A_20 = arith.constant 0 : i32
    %dma_start3A_21 = arith.constant 0 : i32
    %dma_start3A_22 = tpu.memref_slice %arg3[%dma_start3A_20, %dma_start3A_21] : memref<253952x128xf32, #tpu.memory_space<hbm>> -> memref<253952x128xf32, #tpu.memory_space<hbm>>
    tpu.enqueue_indirect_dma source(%dma_start3A_22 : memref<253952x128xf32, #tpu.memory_space<hbm>>) target(%dma_start3A_16 : memref<128x128xf32, #tpu.memory_space<vmem>>) offsets(%dma_start3A_19 : memref<128xi32, #tpu.memory_space<vmem>>) semaphore(%arg7 : memref<!tpu.dma_semaphore, #tpu.memory_space<semaphore_mem>>)
    %dma_start3A_23 = arith.constant 1 : i32
    %dma_start3A_24 = arith.constant 128 : i32
    %dma_start3A_25 = arith.constant 0 : i32
    %dma_start3A_26 = tpu.memref_slice %arg6[%dma_start3A_24, %dma_start3A_25] : memref<512x128xf32, #tpu.memory_space<vmem>> -> memref<128x128xf32, #tpu.memory_space<vmem>>
    %dma_start3A_27 = arith.constant 0 : i32
    %dma_start3A_28 = tpu.memref_slice %arg5[%dma_start3A_23, %dma_start3A_27] : memref<4x128xi32, #tpu.memory_space<vmem>> -> memref<1x128xi32, #tpu.memory_space<vmem>>
    %dma_start3A_29 = tpu.memref_squeeze %dma_start3A_28 : memref<1x128xi32, #tpu.memory_space<vmem>> -> memref<128xi32, #tpu.memory_space<vmem>>
    %dma_start3A_30 = arith.constant 0 : i32
    %dma_start3A_31 = arith.constant 0 : i32
    %dma_start3A_32 = tpu.memref_slice %arg3[%dma_start3A_30, %dma_start3A_31] : memref<253952x128xf32, #tpu.memory_space<hbm>> -> memref<253952x128xf32, #tpu.memory_space<hbm>>
    tpu.enqueue_indirect_dma source(%dma_start3A_32 : memref<253952x128xf32, #tpu.memory_space<hbm>>) target(%dma_start3A_26 : memref<128x128xf32, #tpu.memory_space<vmem>>) offsets(%dma_start3A_29 : memref<128xi32, #tpu.memory_space<vmem>>) semaphore(%arg7 : memref<!tpu.dma_semaphore, #tpu.memory_space<semaphore_mem>>)
    %dma_start3A_33 = arith.constant 2 : i32
    %dma_start3A_34 = arith.constant 256 : i32
    %dma_start3A_35 = arith.constant 0 : i32
    %dma_start3A_36 = tpu.memref_slice %arg6[%dma_start3A_34, %dma_start3A_35] : memref<512x128xf32, #tpu.memory_space<vmem>> -> memref<128x128xf32, #tpu.memory_space<vmem>>
    %dma_start3A_37 = arith.constant 0 : i32
    %dma_start3A_38 = tpu.memref_slice %arg5[%dma_start3A_33, %dma_start3A_37] : memref<4x128xi32, #tpu.memory_space<vmem>> -> memref<1x128xi32, #tpu.memory_space<vmem>>
    %dma_start3A_39 = tpu.memref_squeeze %dma_start3A_38 : memref<1x128xi32, #tpu.memory_space<vmem>> -> memref<128xi32, #tpu.memory_space<vmem>>
    %dma_start3A_40 = arith.constant 0 : i32
    %dma_start3A_41 = arith.constant 0 : i32
    %dma_start3A_42 = tpu.memref_slice %arg3[%dma_start3A_40, %dma_start3A_41] : memref<253952x128xf32, #tpu.memory_space<hbm>> -> memref<253952x128xf32, #tpu.memory_space<hbm>>
    tpu.enqueue_indirect_dma source(%dma_start3A_42 : memref<253952x128xf32, #tpu.memory_space<hbm>>) target(%dma_start3A_36 : memref<128x128xf32, #tpu.memory_space<vmem>>) offsets(%dma_start3A_39 : memref<128xi32, #tpu.memory_space<vmem>>) semaphore(%arg7 : memref<!tpu.dma_semaphore, #tpu.memory_space<semaphore_mem>>)
    %dma_start3A_43 = arith.constant 3 : i32
    %dma_start3A_44 = arith.constant 384 : i32
    %dma_start3A_45 = arith.constant 0 : i32
    %dma_start3A_46 = tpu.memref_slice %arg6[%dma_start3A_44, %dma_start3A_45] : memref<512x128xf32, #tpu.memory_space<vmem>> -> memref<128x128xf32, #tpu.memory_space<vmem>>
    %dma_start3A_47 = arith.constant 0 : i32
    %dma_start3A_48 = tpu.memref_slice %arg5[%dma_start3A_43, %dma_start3A_47] : memref<4x128xi32, #tpu.memory_space<vmem>> -> memref<1x128xi32, #tpu.memory_space<vmem>>
    %dma_start3A_49 = tpu.memref_squeeze %dma_start3A_48 : memref<1x128xi32, #tpu.memory_space<vmem>> -> memref<128xi32, #tpu.memory_space<vmem>>
    %dma_start3A_50 = arith.constant 0 : i32
    %dma_start3A_51 = arith.constant 0 : i32
    %dma_start3A_52 = tpu.memref_slice %arg3[%dma_start3A_50, %dma_start3A_51] : memref<253952x128xf32, #tpu.memory_space<hbm>> -> memref<253952x128xf32, #tpu.memory_space<hbm>>
    tpu.enqueue_indirect_dma source(%dma_start3A_52 : memref<253952x128xf32, #tpu.memory_space<hbm>>) target(%dma_start3A_46 : memref<128x128xf32, #tpu.memory_space<vmem>>) offsets(%dma_start3A_49 : memref<128xi32, #tpu.memory_space<vmem>>) semaphore(%arg7 : memref<!tpu.dma_semaphore, #tpu.memory_space<semaphore_mem>>)
    %dma_wait3A = arith.constant 0 : i32
    %dma_wait3A_53 = arith.constant 0 : i32
    %dma_wait3A_54 = arith.constant 0 : i32
    %dma_wait3A_55 = tpu.memref_slice %arg6[%dma_wait3A_53, %dma_wait3A_54] : memref<512x128xf32, #tpu.memory_space<vmem>> -> memref<128x128xf32, #tpu.memory_space<vmem>>
    %dma_wait3A_56 = arith.constant 0 : i32
    %dma_wait3A_57 = tpu.memref_slice %arg5[%dma_wait3A, %dma_wait3A_56] : memref<4x128xi32, #tpu.memory_space<vmem>> -> memref<1x128xi32, #tpu.memory_space<vmem>>
    %dma_wait3A_58 = tpu.memref_squeeze %dma_wait3A_57 : memref<1x128xi32, #tpu.memory_space<vmem>> -> memref<128xi32, #tpu.memory_space<vmem>>
    %dma_wait3A_59 = arith.constant 0 : i32
    %dma_wait3A_60 = arith.constant 0 : i32
    %dma_wait3A_61 = tpu.memref_slice %arg3[%dma_wait3A_59, %dma_wait3A_60] : memref<253952x128xf32, #tpu.memory_space<hbm>> -> memref<253952x128xf32, #tpu.memory_space<hbm>>
    tpu.wait_indirect_dma semaphore(%arg7 : memref<!tpu.dma_semaphore, #tpu.memory_space<semaphore_mem>>) src(%dma_wait3A_61 : memref<253952x128xf32, #tpu.memory_space<hbm>>) dst(%dma_wait3A_55 : memref<128x128xf32, #tpu.memory_space<vmem>>)
    %dma_wait3A_62 = arith.constant 1 : i32
    %dma_wait3A_63 = arith.constant 128 : i32
    %dma_wait3A_64 = arith.constant 0 : i32
    %dma_wait3A_65 = tpu.memref_slice %arg6[%dma_wait3A_63, %dma_wait3A_64] : memref<512x128xf32, #tpu.memory_space<vmem>> -> memref<128x128xf32, #tpu.memory_space<vmem>>
    %dma_wait3A_66 = arith.constant 0 : i32
    %dma_wait3A_67 = tpu.memref_slice %arg5[%dma_wait3A_62, %dma_wait3A_66] : memref<4x128xi32, #tpu.memory_space<vmem>> -> memref<1x128xi32, #tpu.memory_space<vmem>>
    %dma_wait3A_68 = tpu.memref_squeeze %dma_wait3A_67 : memref<1x128xi32, #tpu.memory_space<vmem>> -> memref<128xi32, #tpu.memory_space<vmem>>
    %dma_wait3A_69 = arith.constant 0 : i32
    %dma_wait3A_70 = arith.constant 0 : i32
    %dma_wait3A_71 = tpu.memref_slice %arg3[%dma_wait3A_69, %dma_wait3A_70] : memref<253952x128xf32, #tpu.memory_space<hbm>> -> memref<253952x128xf32, #tpu.memory_space<hbm>>
    tpu.wait_indirect_dma semaphore(%arg7 : memref<!tpu.dma_semaphore, #tpu.memory_space<semaphore_mem>>) src(%dma_wait3A_71 : memref<253952x128xf32, #tpu.memory_space<hbm>>) dst(%dma_wait3A_65 : memref<128x128xf32, #tpu.memory_space<vmem>>)
    %dma_wait3A_72 = arith.constant 2 : i32
    %dma_wait3A_73 = arith.constant 256 : i32
    %dma_wait3A_74 = arith.constant 0 : i32
    %dma_wait3A_75 = tpu.memref_slice %arg6[%dma_wait3A_73, %dma_wait3A_74] : memref<512x128xf32, #tpu.memory_space<vmem>> -> memref<128x128xf32, #tpu.memory_space<vmem>>
    %dma_wait3A_76 = arith.constant 0 : i32
    %dma_wait3A_77 = tpu.memref_slice %arg5[%dma_wait3A_72, %dma_wait3A_76] : memref<4x128xi32, #tpu.memory_space<vmem>> -> memref<1x128xi32, #tpu.memory_space<vmem>>
    %dma_wait3A_78 = tpu.memref_squeeze %dma_wait3A_77 : memref<1x128xi32, #tpu.memory_space<vmem>> -> memref<128xi32, #tpu.memory_space<vmem>>
    %dma_wait3A_79 = arith.constant 0 : i32
    %dma_wait3A_80 = arith.constant 0 : i32
    %dma_wait3A_81 = tpu.memref_slice %arg3[%dma_wait3A_79, %dma_wait3A_80] : memref<253952x128xf32, #tpu.memory_space<hbm>> -> memref<253952x128xf32, #tpu.memory_space<hbm>>
    tpu.wait_indirect_dma semaphore(%arg7 : memref<!tpu.dma_semaphore, #tpu.memory_space<semaphore_mem>>) src(%dma_wait3A_81 : memref<253952x128xf32, #tpu.memory_space<hbm>>) dst(%dma_wait3A_75 : memref<128x128xf32, #tpu.memory_space<vmem>>)
    %dma_wait3A_82 = arith.constant 3 : i32
    %dma_wait3A_83 = arith.constant 384 : i32
    %dma_wait3A_84 = arith.constant 0 : i32
    %dma_wait3A_85 = tpu.memref_slice %arg6[%dma_wait3A_83, %dma_wait3A_84] : memref<512x128xf32, #tpu.memory_space<vmem>> -> memref<128x128xf32, #tpu.memory_space<vmem>>
    %dma_wait3A_86 = arith.constant 0 : i32
    %dma_wait3A_87 = tpu.memref_slice %arg5[%dma_wait3A_82, %dma_wait3A_86] : memref<4x128xi32, #tpu.memory_space<vmem>> -> memref<1x128xi32, #tpu.memory_space<vmem>>
    %dma_wait3A_88 = tpu.memref_squeeze %dma_wait3A_87 : memref<1x128xi32, #tpu.memory_space<vmem>> -> memref<128xi32, #tpu.memory_space<vmem>>
    %dma_wait3A_89 = arith.constant 0 : i32
    %dma_wait3A_90 = arith.constant 0 : i32
    %dma_wait3A_91 = tpu.memref_slice %arg3[%dma_wait3A_89, %dma_wait3A_90] : memref<253952x128xf32, #tpu.memory_space<hbm>> -> memref<253952x128xf32, #tpu.memory_space<hbm>>
    tpu.wait_indirect_dma semaphore(%arg7 : memref<!tpu.dma_semaphore, #tpu.memory_space<semaphore_mem>>) src(%dma_wait3A_91 : memref<253952x128xf32, #tpu.memory_space<hbm>>) dst(%dma_wait3A_85 : memref<128x128xf32, #tpu.memory_space<vmem>>)
    "tpu.region"() ({
      %run_scoped3A_92 = tpu.sem_alloc : memref<!tpu.dma_semaphore, #tpu.memory_space<semaphore_mem>>
      %dma_start3A_93 = arith.constant 0 : i32
      %dma_start3A_94 = tpu.memref_slice %arg4[%mul3A_2, %dma_start3A_93] : memref<16384x128xf32, #tpu.memory_space<hbm>> -> memref<512x128xf32, #tpu.memory_space<hbm>>
      %dma_start3A_95 = arith.constant 0 : i32
      %dma_start3A_96 = tpu.memref_slice %arg4[%mul3A_2, %dma_start3A_95] : memref<16384x128xf32, #tpu.memory_space<hbm>> -> memref<512x128xf32, #tpu.memory_space<hbm>>
      tpu.enqueue_dma source(%arg6 : memref<512x128xf32, #tpu.memory_space<vmem>>) target(%dma_start3A_96 : memref<512x128xf32, #tpu.memory_space<hbm>>) target_semaphore(%run_scoped3A_92 : memref<!tpu.dma_semaphore, #tpu.memory_space<semaphore_mem>>)
      %dma_wait3A_97 = arith.constant 0 : i32
      %dma_wait3A_98 = tpu.memref_slice %arg4[%mul3A_2, %dma_wait3A_97] : memref<16384x128xf32, #tpu.memory_space<hbm>> -> memref<512x128xf32, #tpu.memory_space<hbm>>
      %dma_wait3A_99 = arith.constant 0 : i32
      %dma_wait3A_100 = tpu.memref_slice %arg4[%mul3A_2, %dma_wait3A_99] : memref<16384x128xf32, #tpu.memory_space<hbm>> -> memref<512x128xf32, #tpu.memory_space<hbm>>
      tpu.wait_dma2 semaphore(%run_scoped3A_92 : memref<!tpu.dma_semaphore, #tpu.memory_space<semaphore_mem>>) src(%arg6 : memref<512x128xf32, #tpu.memory_space<vmem>>) dst(%dma_wait3A_100 : memref<512x128xf32, #tpu.memory_space<hbm>>)
      tpu.yield
    }) : () -> ()
    return
  }
}

module attributes {stable_mosaic.version = 14 : i64} {
  func.func @_transpose_body(%arg0: i32, %arg1: memref<32x32768xf32, #tpu.memory_space<vmem>>, %arg2: memref<8192x128xf32, #tpu.memory_space<vmem>>) attributes {dimension_semantics = [#tpu.dimension_semantics<arbitrary>], iteration_bounds = array<i64: 31>, scalar_prefetch = 0 : i64, scratch_operands = 0 : i64, tpu.core_type = #tpu.core_type<tc>, window_params = [{transform_indices = @transform_0, window_bounds = array<i64: 32, 32768>}, {transform_indices = @transform_1, window_bounds = array<i64: 8192, 128>}]} {
    %get3A = arith.constant 0 : index
    %get3A_0 = arith.constant 0 : index
    %get3A_1 = vector.load %arg1[%get3A, %get3A_0] : memref<32x32768xf32, #tpu.memory_space<vmem>>, vector<32x32768xf32>
    %iota3A = tpu.iota {dimensions = array<i32: 1>} : vector<32x128xi32>
    %iota3A_2 = tpu.iota {dimensions = array<i32: 0>} : vector<32x128xi32>
    %add3A = arith.constant 0 : i32
    %add3A_3 = vector.broadcast %add3A : i32 to vector<32x128xi32>
    %add3A_4 = arith.addi %add3A_3, %iota3A_2 : vector<32x128xi32>
    %eq3A = arith.cmpi eq, %iota3A, %add3A_4 : vector<32x128xi32>
    %jit3A = arith.constant 1.000000e+00 : f32
    %jit3A_5 = arith.constant 0.000000e+00 : f32
    %broadcast_in_dim3A = vector.broadcast %jit3A : f32 to vector<32x128xf32>
    %broadcast_in_dim3A_6 = vector.broadcast %jit3A_5 : f32 to vector<32x128xf32>
    %select_n3A = arith.select %eq3A, %broadcast_in_dim3A, %broadcast_in_dim3A_6 : vector<32x128xi1>, vector<32x128xf32>
    %slice3A = vector.extract_strided_slice %get3A_1 {offsets = [0, 0], sizes = [32, 8192], strides = [1, 1]} : vector<32x32768xf32> to vector<32x8192xf32>
    %dot_general3A = arith.constant dense<0.000000e+00> : vector<8192x128xf32>
    %dot_general3A_7 = tpu.matmul %slice3A, %select_n3A, %dot_general3A {dimension_numbers = #tpu.dot_dimension_numbers<[0], [0], [1], [1], [0, 1, 1, 1], [], []>, transpose_lhs_hint = true} : vector<32x8192xf32>, vector<32x128xf32>, vector<8192x128xf32> -> vector<8192x128xf32>
    %add3A_8 = arith.constant 32 : i32
    %add3A_9 = vector.broadcast %add3A_8 : i32 to vector<32x128xi32>
    %add3A_10 = arith.addi %add3A_9, %iota3A_2 : vector<32x128xi32>
    %eq3A_11 = arith.cmpi eq, %iota3A, %add3A_10 : vector<32x128xi32>
    %jit3A_12 = arith.constant 1.000000e+00 : f32
    %jit3A_13 = arith.constant 0.000000e+00 : f32
    %broadcast_in_dim3A_14 = vector.broadcast %jit3A_12 : f32 to vector<32x128xf32>
    %broadcast_in_dim3A_15 = vector.broadcast %jit3A_13 : f32 to vector<32x128xf32>
    %select_n3A_16 = arith.select %eq3A_11, %broadcast_in_dim3A_14, %broadcast_in_dim3A_15 : vector<32x128xi1>, vector<32x128xf32>
    %slice3A_17 = vector.extract_strided_slice %get3A_1 {offsets = [0, 8192], sizes = [32, 8192], strides = [1, 1]} : vector<32x32768xf32> to vector<32x8192xf32>
    %dot_general3A_18 = arith.constant dense<0.000000e+00> : vector<8192x128xf32>
    %dot_general3A_19 = tpu.matmul %slice3A_17, %select_n3A_16, %dot_general3A_18 {dimension_numbers = #tpu.dot_dimension_numbers<[0], [0], [1], [1], [0, 1, 1, 1], [], []>, transpose_lhs_hint = true} : vector<32x8192xf32>, vector<32x128xf32>, vector<8192x128xf32> -> vector<8192x128xf32>
    %add3A_20 = arith.addf %dot_general3A_7, %dot_general3A_19 : vector<8192x128xf32>
    %add3A_21 = arith.constant 64 : i32
    %add3A_22 = vector.broadcast %add3A_21 : i32 to vector<32x128xi32>
    %add3A_23 = arith.addi %add3A_22, %iota3A_2 : vector<32x128xi32>
    %eq3A_24 = arith.cmpi eq, %iota3A, %add3A_23 : vector<32x128xi32>
    %jit3A_25 = arith.constant 1.000000e+00 : f32
    %jit3A_26 = arith.constant 0.000000e+00 : f32
    %broadcast_in_dim3A_27 = vector.broadcast %jit3A_25 : f32 to vector<32x128xf32>
    %broadcast_in_dim3A_28 = vector.broadcast %jit3A_26 : f32 to vector<32x128xf32>
    %select_n3A_29 = arith.select %eq3A_24, %broadcast_in_dim3A_27, %broadcast_in_dim3A_28 : vector<32x128xi1>, vector<32x128xf32>
    %slice3A_30 = vector.extract_strided_slice %get3A_1 {offsets = [0, 16384], sizes = [32, 8192], strides = [1, 1]} : vector<32x32768xf32> to vector<32x8192xf32>
    %dot_general3A_31 = arith.constant dense<0.000000e+00> : vector<8192x128xf32>
    %dot_general3A_32 = tpu.matmul %slice3A_30, %select_n3A_29, %dot_general3A_31 {dimension_numbers = #tpu.dot_dimension_numbers<[0], [0], [1], [1], [0, 1, 1, 1], [], []>, transpose_lhs_hint = true} : vector<32x8192xf32>, vector<32x128xf32>, vector<8192x128xf32> -> vector<8192x128xf32>
    %add3A_33 = arith.addf %add3A_20, %dot_general3A_32 : vector<8192x128xf32>
    %add3A_34 = arith.constant 96 : i32
    %add3A_35 = vector.broadcast %add3A_34 : i32 to vector<32x128xi32>
    %add3A_36 = arith.addi %add3A_35, %iota3A_2 : vector<32x128xi32>
    %eq3A_37 = arith.cmpi eq, %iota3A, %add3A_36 : vector<32x128xi32>
    %jit3A_38 = arith.constant 1.000000e+00 : f32
    %jit3A_39 = arith.constant 0.000000e+00 : f32
    %broadcast_in_dim3A_40 = vector.broadcast %jit3A_38 : f32 to vector<32x128xf32>
    %broadcast_in_dim3A_41 = vector.broadcast %jit3A_39 : f32 to vector<32x128xf32>
    %select_n3A_42 = arith.select %eq3A_37, %broadcast_in_dim3A_40, %broadcast_in_dim3A_41 : vector<32x128xi1>, vector<32x128xf32>
    %slice3A_43 = vector.extract_strided_slice %get3A_1 {offsets = [0, 24576], sizes = [32, 8192], strides = [1, 1]} : vector<32x32768xf32> to vector<32x8192xf32>
    %dot_general3A_44 = arith.constant dense<0.000000e+00> : vector<8192x128xf32>
    %dot_general3A_45 = tpu.matmul %slice3A_43, %select_n3A_42, %dot_general3A_44 {dimension_numbers = #tpu.dot_dimension_numbers<[0], [0], [1], [1], [0, 1, 1, 1], [], []>, transpose_lhs_hint = true} : vector<32x8192xf32>, vector<32x128xf32>, vector<8192x128xf32> -> vector<8192x128xf32>
    %add3A_46 = arith.addf %add3A_33, %dot_general3A_45 : vector<8192x128xf32>
    %swap3A = arith.constant 0 : index
    %swap3A_47 = arith.constant 0 : index
    %swap3A_48 = vector.load %arg2[%swap3A, %swap3A_47] : memref<8192x128xf32, #tpu.memory_space<vmem>>, vector<8192x128xf32>
    tpu.vector_store %arg2[%swap3A, %swap3A_47], %add3A_46 {strides = array<i32>} : memref<8192x128xf32, #tpu.memory_space<vmem>>, vector<8192x128xf32>,
    return
  }
  func.func @transform_0(%arg0: i32) -> (i32, i32) {
    %c0_i32 = arith.constant 0 : i32
    %c0_i32_0 = arith.constant 0 : i32
    return %c0_i32, %arg0 : i32, i32
  }
  func.func @transform_1(%arg0: i32) -> (i32, i32) {
    %c0_i32 = arith.constant 0 : i32
    %c0_i32_0 = arith.constant 0 : i32
    return %arg0, %c0_i32 : i32, i32
  }
}

module attributes {stable_mosaic.version = 14 : i64} {
  func.func @_mlp_body(%arg0: i32, %arg1: memref<8192x128xf32, #tpu.memory_space<vmem>>, %arg2: memref<8192x128xf32, #tpu.memory_space<vmem>>, %arg3: memref<8192x128xbf16, #tpu.memory_space<vmem>>, %arg4: memref<8192x128xbf16, #tpu.memory_space<vmem>>, %arg5: memref<128x64xf32, #tpu.memory_space<vmem>>, %arg6: memref<128x64xf32, #tpu.memory_space<vmem>>, %arg7: memref<1x64xf32, #tpu.memory_space<vmem>>, %arg8: memref<64x32xf32, #tpu.memory_space<vmem>>, %arg9: memref<1x32xf32, #tpu.memory_space<vmem>>, %arg10: memref<1x32xf32, #tpu.memory_space<vmem>>, %arg11: memref<1x1xf32, #tpu.memory_space<vmem>>, %arg12: memref<8192x1xf32, #tpu.memory_space<vmem>>) attributes {dimension_semantics = [#tpu.dimension_semantics<arbitrary>], iteration_bounds = array<i64: 2>, scalar_prefetch = 0 : i64, scratch_operands = 0 : i64, tpu.core_type = #tpu.core_type<tc>, window_params = [{transform_indices = @transform_0, window_bounds = array<i64: 8192, 128>}, {transform_indices = @transform_1, window_bounds = array<i64: 8192, 128>}, {transform_indices = @transform_2, window_bounds = array<i64: 8192, 128>}, {transform_indices = @transform_3, window_bounds = array<i64: 8192, 128>}, {pipeline_mode = #tpu.pipeline_mode<synchronous>, transform_indices = @transform_4, window_bounds = array<i64: 128, 64>}, {pipeline_mode = #tpu.pipeline_mode<synchronous>, transform_indices = @transform_5, window_bounds = array<i64: 128, 64>}, {pipeline_mode = #tpu.pipeline_mode<synchronous>, transform_indices = @transform_6, window_bounds = array<i64: 1, 64>}, {pipeline_mode = #tpu.pipeline_mode<synchronous>, transform_indices = @transform_7, window_bounds = array<i64: 64, 32>}, {pipeline_mode = #tpu.pipeline_mode<synchronous>, transform_indices = @transform_8, window_bounds = array<i64: 1, 32>}, {pipeline_mode = #tpu.pipeline_mode<synchronous>, transform_indices = @transform_9, window_bounds = array<i64: 1, 32>}, {pipeline_mode = #tpu.pipeline_mode<synchronous>, transform_indices = @transform_10, window_bounds = array<i64: 1, 1>}, {transform_indices = @transform_11, window_bounds = array<i64: 8192, 1>}]} {
    %get3A = arith.constant 0 : index
    %get3A_0 = arith.constant 0 : index
    %get3A_1 = vector.load %arg1[%get3A, %get3A_0] : memref<8192x128xf32, #tpu.memory_space<vmem>>, vector<8192x128xf32>
    %get3A_2 = arith.constant 0 : index
    %get3A_3 = arith.constant 0 : index
    %get3A_4 = vector.load %arg3[%get3A_2, %get3A_3] : memref<8192x128xbf16, #tpu.memory_space<vmem>>, vector<8192x128xbf16>
    %convert_element_type3A = arith.extf %get3A_4 : vector<8192x128xbf16> to vector<8192x128xf32>
    %mul3A = arith.mulf %get3A_1, %convert_element_type3A : vector<8192x128xf32>
    %get3A_5 = arith.constant 0 : index
    %get3A_6 = arith.constant 0 : index
    %get3A_7 = vector.load %arg2[%get3A_5, %get3A_6] : memref<8192x128xf32, #tpu.memory_space<vmem>>, vector<8192x128xf32>
    %get3A_8 = arith.constant 0 : index
    %get3A_9 = arith.constant 0 : index
    %get3A_10 = vector.load %arg4[%get3A_8, %get3A_9] : memref<8192x128xbf16, #tpu.memory_space<vmem>>, vector<8192x128xbf16>
    %convert_element_type3A_11 = arith.extf %get3A_10 : vector<8192x128xbf16> to vector<8192x128xf32>
    %mul3A_12 = arith.mulf %get3A_7, %convert_element_type3A_11 : vector<8192x128xf32>
    %get3A_13 = arith.constant 0 : index
    %get3A_14 = arith.constant 0 : index
    %get3A_15 = vector.load %arg5[%get3A_13, %get3A_14] : memref<128x64xf32, #tpu.memory_space<vmem>>, vector<128x64xf32>
    %dot_general3A = arith.constant dense<0.000000e+00> : vector<8192x64xf32>
    %dot_general3A_16 = tpu.matmul %mul3A, %get3A_15, %dot_general3A {dimension_numbers = #tpu.dot_dimension_numbers<[1], [0], [0], [1], [0, 0, 1, 1], [], []>, transpose_lhs_hint = false} : vector<8192x128xf32>, vector<128x64xf32>, vector<8192x64xf32> -> vector<8192x64xf32>
    %get3A_17 = arith.constant 0 : index
    %get3A_18 = arith.constant 0 : index
    %get3A_19 = vector.load %arg6[%get3A_17, %get3A_18] : memref<128x64xf32, #tpu.memory_space<vmem>>, vector<128x64xf32>
    %dot_general3A_20 = arith.constant dense<0.000000e+00> : vector<8192x64xf32>
    %dot_general3A_21 = tpu.matmul %mul3A_12, %get3A_19, %dot_general3A_20 {dimension_numbers = #tpu.dot_dimension_numbers<[1], [0], [0], [1], [0, 0, 1, 1], [], []>, transpose_lhs_hint = false} : vector<8192x128xf32>, vector<128x64xf32>, vector<8192x64xf32> -> vector<8192x64xf32>
    %add3A = arith.addf %dot_general3A_16, %dot_general3A_21 : vector<8192x64xf32>
    %get3A_22 = arith.constant 0 : index
    %get3A_23 = arith.constant 0 : index
    %get3A_24 = vector.load %arg7[%get3A_22, %get3A_23] : memref<1x64xf32, #tpu.memory_space<vmem>>, vector<1x64xf32>
    %add3A_25 = vector.broadcast %get3A_24 : vector<1x64xf32> to vector<8192x64xf32>
    %add3A_26 = arith.addf %add3A, %add3A_25 : vector<8192x64xf32>
    %max3A = arith.constant 0.000000e+00 : f32
    %max3A_27 = vector.broadcast %max3A : f32 to vector<8192x64xf32>
    %max3A_28 = arith.maximumf %add3A_26, %max3A_27 : vector<8192x64xf32>
    %get3A_29 = arith.constant 0 : index
    %get3A_30 = arith.constant 0 : index
    %get3A_31 = vector.load %arg8[%get3A_29, %get3A_30] : memref<64x32xf32, #tpu.memory_space<vmem>>, vector<64x32xf32>
    %dot_general3A_32 = arith.constant dense<0.000000e+00> : vector<8192x32xf32>
    %dot_general3A_33 = tpu.matmul %max3A_28, %get3A_31, %dot_general3A_32 {dimension_numbers = #tpu.dot_dimension_numbers<[1], [0], [0], [1], [0, 0, 1, 1], [], []>, transpose_lhs_hint = false} : vector<8192x64xf32>, vector<64x32xf32>, vector<8192x32xf32> -> vector<8192x32xf32>
    %get3A_34 = arith.constant 0 : index
    %get3A_35 = arith.constant 0 : index
    %get3A_36 = vector.load %arg9[%get3A_34, %get3A_35] : memref<1x32xf32, #tpu.memory_space<vmem>>, vector<1x32xf32>
    %add3A_37 = vector.broadcast %get3A_36 : vector<1x32xf32> to vector<8192x32xf32>
    %add3A_38 = arith.addf %dot_general3A_33, %add3A_37 : vector<8192x32xf32>
    %max3A_39 = arith.constant 0.000000e+00 : f32
    %max3A_40 = vector.broadcast %max3A_39 : f32 to vector<8192x32xf32>
    %max3A_41 = arith.maximumf %add3A_38, %max3A_40 : vector<8192x32xf32>
    %get3A_42 = arith.constant 0 : index
    %get3A_43 = arith.constant 0 : index
    %get3A_44 = vector.load %arg10[%get3A_42, %get3A_43] : memref<1x32xf32, #tpu.memory_space<vmem>>, vector<1x32xf32>
    %mul3A_45 = vector.broadcast %get3A_44 : vector<1x32xf32> to vector<8192x32xf32>
    %mul3A_46 = arith.mulf %max3A_41, %mul3A_45 : vector<8192x32xf32>
    %reduce_sum3A = arith.constant dense<0.000000e+00> : vector<8192xf32>
    %reduce_sum3A_47 = vector.multi_reduction <add>, %mul3A_46, %reduce_sum3A [1] : vector<8192x32xf32> to vector<8192xf32>
    %broadcast_in_dim3A = vector.shape_cast %reduce_sum3A_47 : vector<8192xf32> to vector<8192x1xf32>
    %get3A_48 = arith.constant 0 : index
    %get3A_49 = arith.constant 0 : index
    %get3A_50 = vector.load %arg11[%get3A_48, %get3A_49] : memref<1x1xf32, #tpu.memory_space<vmem>>, vector<1x1xf32>
    %add3A_51 = vector.broadcast %get3A_50 : vector<1x1xf32> to vector<8192x1xf32>
    %add3A_52 = arith.addf %broadcast_in_dim3A, %add3A_51 : vector<8192x1xf32>
    %neg3A = arith.constant 0.000000e+00 : f32
    %neg3A_53 = vector.broadcast %neg3A : f32 to vector<8192x1xf32>
    %neg3A_54 = arith.subf %neg3A_53, %add3A_52 : vector<8192x1xf32>
    %exp3A = math.exp %neg3A_54 : vector<8192x1xf32>
    %add3A_55 = arith.constant 1.000000e+00 : f32
    %add3A_56 = vector.broadcast %add3A_55 : f32 to vector<8192x1xf32>
    %add3A_57 = arith.addf %add3A_56, %exp3A : vector<8192x1xf32>
    %div3A = arith.constant 1.000000e+00 : f32
    %div3A_58 = vector.broadcast %div3A : f32 to vector<8192x1xf32>
    %div3A_59 = arith.divf %div3A_58, %add3A_57 : vector<8192x1xf32>
    %swap3A = arith.constant 0 : index
    %swap3A_60 = arith.constant 0 : index
    %swap3A_61 = vector.load %arg12[%swap3A, %swap3A_60] : memref<8192x1xf32, #tpu.memory_space<vmem>>, vector<8192x1xf32>
    tpu.vector_store %arg12[%swap3A, %swap3A_60], %div3A_59 {strides = array<i32>} : memref<8192x1xf32, #tpu.memory_space<vmem>>, vector<8192x1xf32>,
    return
  }
  func.func @transform_0(%arg0: i32) -> (i32, i32) {
    %c0_i32 = arith.constant 0 : i32
    %c0_i32_0 = arith.constant 0 : i32
    return %arg0, %c0_i32 : i32, i32
  }
  func.func @transform_1(%arg0: i32) -> (i32, i32) {
    %c0_i32 = arith.constant 0 : i32
    %c0_i32_0 = arith.constant 0 : i32
    return %arg0, %c0_i32 : i32, i32
  }
  func.func @transform_2(%arg0: i32) -> (i32, i32) {
    %c0_i32 = arith.constant 0 : i32
    %c0_i32_0 = arith.constant 0 : i32
    return %arg0, %c0_i32 : i32, i32
  }
  func.func @transform_3(%arg0: i32) -> (i32, i32) {
    %c0_i32 = arith.constant 0 : i32
    %c0_i32_0 = arith.constant 0 : i32
    return %arg0, %c0_i32 : i32, i32
  }
  func.func @transform_4(%arg0: i32) -> (i32, i32) {
    %c0_i32 = arith.constant 0 : i32
    %c0_i32_0 = arith.constant 0 : i32
    %c0_i32_1 = arith.constant 0 : i32
    return %c0_i32, %c0_i32_0 : i32, i32
  }
  func.func @transform_5(%arg0: i32) -> (i32, i32) {
    %c0_i32 = arith.constant 0 : i32
    %c0_i32_0 = arith.constant 0 : i32
    %c0_i32_1 = arith.constant 0 : i32
    return %c0_i32, %c0_i32_0 : i32, i32
  }
  func.func @transform_6(%arg0: i32) -> (i32, i32) {
    %c0_i32 = arith.constant 0 : i32
    %c0_i32_0 = arith.constant 0 : i32
    %c0_i32_1 = arith.constant 0 : i32
    return %c0_i32, %c0_i32_0 : i32, i32
  }
  func.func @transform_7(%arg0: i32) -> (i32, i32) {
    %c0_i32 = arith.constant 0 : i32
    %c0_i32_0 = arith.constant 0 : i32
    %c0_i32_1 = arith.constant 0 : i32
    return %c0_i32, %c0_i32_0 : i32, i32
  }
  func.func @transform_8(%arg0: i32) -> (i32, i32) {
    %c0_i32 = arith.constant 0 : i32
    %c0_i32_0 = arith.constant 0 : i32
    %c0_i32_1 = arith.constant 0 : i32
    return %c0_i32, %c0_i32_0 : i32, i32
  }
  func.func @transform_9(%arg0: i32) -> (i32, i32) {
    %c0_i32 = arith.constant 0 : i32
    %c0_i32_0 = arith.constant 0 : i32
    %c0_i32_1 = arith.constant 0 : i32
    return %c0_i32, %c0_i32_0 : i32, i32
  }
  func.func @transform_10(%arg0: i32) -> (i32, i32) {
    %c0_i32 = arith.constant 0 : i32
    %c0_i32_0 = arith.constant 0 : i32
    %c0_i32_1 = arith.constant 0 : i32
    return %c0_i32, %c0_i32_0 : i32, i32
  }
  func.func @transform_11(%arg0: i32) -> (i32, i32) {
    %c0_i32 = arith.constant 0 : i32
    %c0_i32_0 = arith.constant 0 : i32
    return %arg0, %c0_i32 : i32, i32
  }
}

</mosaic_0001>

<sc_bundles>
// kernel: kernel.10.cloned.1.call-start
scs
__scs_entry_jumppad:
0x0: {  	(pc) =	sbr.rel $0x88, $3  }
0x1: {  	(tag) =	ssettag $0x0;
	lr =	simm.s32 $0x1  }
0x2: {  	[smem:$0x3F97] =	sst lr;
	_ =	strace $0xD0000000  }
0x3: {  	_ = 	snop  }
0x4: {  	_ = 	snop  }
0x5: {  	_ = 	snop  }
0x6: {  	_ = 	snop  }
0x7: {  	_ = 	snop  }
__scs_overlays_trampoline_lowered:
0x8: {  	[smem:$0x3FA6] =	sst s0  }
0x9: {  	[smem:$0x3FA7] =	sst s1  }
0xa: {  	[smem:$0x3FA8] =	sst s2  }
0xb: {  	[smem:$0x3FA9] =	sst s3  }
0xc: {  	[smem:$0x3FAA] =	sst s4  }
0xd: {  	[smem:$0x3FAB] =	sst s5  }
0xe: {  	[smem:$0x3FAC] =	sst s6  }
0xf: {  	[smem:$0x3FAD] =	sst s7  }
0x10: {  	[smem:$0x3FAE] =	sst s8  }
0x11: {  	[smem:$0x3FAF] =	sst s9;
	s0 =	simm.s32 @!p0 $0x0  }
0x12: {  	s1 =	sld [smem:$0x3F95];
	s0 =	simm.s32 @p0 $0x1  }
0x13: {  	[smem:$0x3FB0] =	sst s0;
	s0 =	simm.s32 @!p1 $0x0  }
0x14: {  	s2 =	sld [smem:$0x3F94];
	s0 =	simm.s32 @p1 $0x1  }
0x15: {  	[smem:$0x3FB1] =	sst s0;
	s0 =	simm.s32 @!p2 $0x0  }
0x16: {  	s3 =	sld [smem:$0x3FDB];
	s0 =	simm.s32 @p2 $0x1  }
0x17: {  	s4 =	simm.s32 $0x1BF5;
	[smem:$0x3FB3] =	sst s0  }
0x18: {  	s0 =	sld [smem:$0x3F96];
	_ =	swait.ge [sflag:s4], $0x0  }
0x19: {  	s7 =	sld [smem:$0x3F97]  }
0x1a: {  	s8 =	sadd.s32 $0xFFFFE003, lr  }
0x1b: {  	s9 =	sadd.s32 $0xFFFFFEF7, lr;
	s5 =	simm.s32 $0xFFFFFFFF;
	p2 =	slt.u32 s8, $0xFFFFF086  }
0x1c: {  	p1 =	slt.u32 s9, $0xF7A;
	s5 =	simm.s32 @!p2 $0x0  }
0x1d: {  	s5 =	simm.s32 @p1 $0x1;
	p0 =	seq.s32 s7, s2  }
0x1e: {  	s7 =	smul.u32 @!p0 $0xF7A, s2;
	p2 =	seq.s32 @!p0 s5, $0x0  }
0x1f: {  	s9 =	smul.u32 $0xF7A, s1;
	s8 =	simm.s32 @!p0 $0x1BF5;
	p2 =	por !p2, p0  }
0x20: {  	[sflag:s8] =	ssyncset.s32 @!p0 $0xFFFFF086;
	s6 =	sadd.s32 @!p0 s3, s7;
	s7 =	simm.s32 @!p0 $0x108  }
0x21: {  	s3 =	sadd.s32 s3, s9;
	s6 =	sadd.s32 @!p0 $0x88, s6;
	s7 =	simm.s32 @p2 $0x1082  }
0x22: {  	[simem:s7], [sflag:s8] =	dma.local @!p0 [hbm:s6], $0xF7A  }
0x23: {  	s9 =	sor.u32 $0xD0000000, s2;
	s6 =	simm.s32 $0x108;
	_ =	swait.ge @!p0 [sflag:s8], $0x0  }
0x24: {  	s3 =	sadd.s32 $0x88, s3;
	s6 =	simm.s32 @!p1 $0x1082;
	[sflag:s4] =	ssyncset.s32 $0xFFFFF086  }
0x25: {  	[simem:s6], [sflag:s4] =	dma.local [hbm:s3], $0xF7A  }
0x26: {  	[smem:$0x3F97] =	sst s1;
	(tag) =	ssettag s2;
	_ =	strace s9  }
0x27: {  	s1 =	sld [smem:$0x3FA7]  }
0x28: {  	s2 =	sld [smem:$0x3FA8]  }
0x29: {  	s4 =	sld [smem:$0x3FAA]  }
0x2a: {  	p0 =	seq.s32 s5, $0x0;
	s5 =	sld [smem:$0x3FAB]  }
0x2b: {  	s6 =	sld [smem:$0x3FAC]  }
0x2c: {  	s7 =	sld [smem:$0x3FAD]  }
0x2d: {  	s3 =	simm.s32 $0x108;
	s8 =	sld [smem:$0x3FAE]  }
0x2e: {  	s3 =	simm.s32 @!p0 $0x1082;
	s9 =	sld [smem:$0x3FAF]  }
0x2f: {  	lr =	sadd.s32 s0, s3;
	s0 =	sld [smem:$0x3FA6]  }
0x30: {  	s3 =	sld [smem:$0x3FA9]  }
0x31: {  	[smem:$0x3FB2] =	sst s10  }
0x32: {  	s10 =	sld [smem:$0x3FB0];
	_ =	sdelay $0x3  }
0x33: {  	p0 =	seq.s32 s10, $0x1;
	s10 =	sld [smem:$0x3FB2];
	_ =	sdelay $0x3  }
0x34: {  	[smem:$0x3FB2] =	sst s10  }
0x35: {  	s10 =	sld [smem:$0x3FB1];
	_ =	sdelay $0x3  }
0x36: {  	p1 =	seq.s32 s10, $0x1;
	s10 =	sld [smem:$0x3FB2];
	_ =	sdelay $0x3  }
0x37: {  	[smem:$0x3FB2] =	sst s10  }
0x38: {  	s10 =	sld [smem:$0x3FB3]  }
0x39: {  	_ = 	snop;
	(pc) =	sbr.ind lr, $3  }
0x3a: {  	_ = 	snop  }
0x3b: {  	_ = 	snop  }
0x3c: {  	p2 =	seq.s32 s10, $0x1;
	s10 =	sld [smem:$0x3FB2]  }
0x3d: {  	_ =	shalt  }
0x3e: {  	_ =	shalt  }
0x3f: {  	_ =	shalt  }
0x40: {  	_ =	shalt  }
0x41: {  	_ =	shalt  }
0x42: {  	_ =	shalt  }
0x43: {  	_ =	shalt  }
0x44: {  	_ =	shalt  }
0x45: {  	_ =	shalt  }
0x46: {  	_ =	shalt  }
0x47: {  	_ =	shalt  }
0x48: {  	_ =	shalt  }
0x49: {  	_ =	shalt  }
0x4a: {  	_ =	shalt  }
0x4b: {  	_ =	shalt  }
0x4c: {  	_ =	shalt  }
0x4d: {  	_ =	shalt  }
0x4e: {  	_ =	shalt  }
0x4f: {  	_ =	shalt  }
0x50: {  	_ =	shalt  }
0x51: {  	_ =	shalt  }
0x52: {  	_ =	shalt  }
0x53: {  	_ =	shalt  }
0x54: {  	_ =	shalt  }
0x55: {  	_ =	shalt  }
0x56: {  	_ =	shalt  }
0x57: {  	_ =	shalt  }
0x58: {  	_ =	shalt  }
0x59: {  	_ =	shalt  }
0x5a: {  	_ =	shalt  }
0x5b: {  	_ =	shalt  }
0x5c: {  	_ =	shalt  }
0x5d: {  	_ =	shalt  }
0x5e: {  	_ =	shalt  }
0x5f: {  	_ =	shalt  }
0x60: {  	_ =	shalt  }
0x61: {  	_ =	shalt  }
0x62: {  	_ =	shalt  }
0x63: {  	_ =	shalt  }
0x64: {  	_ =	shalt  }
0x65: {  	_ =	shalt  }
0x66: {  	_ =	shalt  }
0x67: {  	_ =	shalt  }
0x68: {  	_ =	shalt  }
0x69: {  	_ =	shalt  }
0x6a: {  	_ =	shalt  }
0x6b: {  	_ =	shalt  }
0x6c: {  	_ =	shalt  }
0x6d: {  	_ =	shalt  }
0x6e: {  	_ =	shalt  }
0x6f: {  	_ =	shalt  }
0x70: {  	_ =	shalt  }
0x71: {  	_ =	shalt  }
0x72: {  	_ =	shalt  }
0x73: {  	_ =	shalt  }
0x74: {  	_ =	shalt  }
0x75: {  	_ =	shalt  }
0x76: {  	_ =	shalt  }
0x77: {  	_ =	shalt  }
0x78: {  	_ =	shalt  }
0x79: {  	_ =	shalt  }
0x7a: {  	_ =	shalt  }
0x7b: {  	_ =	shalt  }
0x7c: {  	_ =	shalt  }
0x7d: {  	_ =	shalt  }
0x7e: {  	_ =	shalt  }
0x7f: {  	_ =	shalt  }
0x80: {  	_ =	shalt  }
0x81: {  	_ =	shalt  }
0x82: {  	_ =	shalt  }
0x83: {  	_ =	shalt  }
0x84: {  	_ =	shalt  }
0x85: {  	_ =	shalt  }
0x86: {  	_ =	shalt  }
0x87: {  	_ =	shalt  }
.Lfunc_end0:
.L_simem_size_0:
called_computation.1_lowered:
.L_overlay_start_0:
0x88: {  	s2 =	sld [smem:$0x3FD9]  }
0x89: {  	s3 =	sld [smem:$0x3FFE];
	_ =	sdelay $0x1  }
0x8a: {  	s1 =	srdreg.scid  }
0x8b: {  	s0 =	sand.u32 $0x1, s1  }
0x8c: {  	s17 =	sshll.u32 s0, $0xA;
	s2 =	sadd.s32 s3, s2  }
0x8d: {  	s2 =	sadd.s32 s2, s17  }
0x8e: {  	[smem:$0x3FBE] =	sst s2  }
0x8f: {  	_ = 	snop  }
0x90: {  	(tm) =	ssettm $0x1  }
0x91: {  	s18 =	sld [smem:$0x3FFB];
	_ =	sdelay $0x3  }
0x92: {  	_ =	strace s18  }
0x93: {  	s2 =	sld [smem:$0x3FFC];
	_ =	sdelay $0x3  }
0x94: {  	_ =	strace s2  }
0x95: {  	s2 =	sld [smem:$0x3FFD];
	_ =	sdelay $0x3  }
0x96: {  	_ =	strace s2  }
0x97: {  	_ =	strace $0x8FFFFFFF  }
0x98: {  	s19 =	sld [smem:$0x3FDB];
	_ =	sdelay $0x1  }
0x99: {  	s20 =	simm.s32 $_scs_section_size  }
0x9a: {  	s4 =	simm.s32 $_size__tile_overlayer_lowered;
	s5 =	simm.s32 $_tile_overlayer_lowered  }
0x9b: {  	s6 =	simm.s32 $0x1BFF;
	s21 =	sshll.u32 s5, $0x1;
	s3 =	sadd.s32 s20, s19  }
0x9c: {  	s22 =	simm.s32 $0x0;
	s4 =	sshll.u32 s4, $0x1;
	s5 =	sadd.s32 s21, s3  }
0x9d: {  	[timem:s22], [sflag:s6] =	dma.local [hbm:s5], s4  }
0x9e: {  	_ =	swait.ge [sflag:s6], s4  }
0x9f: {  	s4 =	ssub.s32 $0x0, s4;
	[sflag:s6] =	ssyncset.done $0x0  }
0xa0: {  	[sflag:s6] =	ssyncadd.s32 s4;
	_ =	sdelay $0x1  }
0xa1: {  	s23 =	simm.s32 $0x1B8B  }
0xa2: {  	_ =	swait.ge [sflag:s23], $0x1  }
0xa3: {  	[sflag:s23] =	ssyncset.done $0x0  }
0xa4: {  	[sflag:s23] =	ssyncadd.s32 $0xFFFFFFFF  }
0xa5: {  	s4 =	sld [smem:$0x0]  }
0xa6: {  	s5 =	sand.u32 $0xFFFFFFFE, s1  }
0xa7: {  	p0 =	sne.s32 s1, s5  }
0xa8: {  	s5 =	sshll.u32 @p0 s5, $0xE  }
0xa9: {  	s5 =	sadd.s32 @p0 $0x11B8D, s5;
	s6 =	sshll.u32 @p0 s4, $0x11  }
0xaa: {  	s5 =	sor.u32 @p0 s6, s5  }
0xab: {  	[sflag:s5] =	ssyncadd.remote.s32 @p0 $0x1;
	_ =	sdelay $0x1  }
0xac: {  	s5 =	simm.s32 @p0 $0x1B8D  }
0xad: {  	_ =	swait.eq @p0 [sflag:s5], $0x1  }
0xae: {  	[sflag:s5] =	ssyncadd.s32 @p0 $0xFFFFFFFF  }
0xaf: {  	s6 =	sshll.u32 @!p0 s1, $0xE  }
0xb0: {  	s6 =	sor.u32 @!p0 $0x4000, s6;
	s5 =	simm.s32 @!p0 $0x1B8D  }
0xb1: {  	s4 =	sshll.u32 @!p0 s4, $0x11;
	s6 =	sadd.s32 @!p0 $0x11B8D, s6;
	_ =	swait.eq @!p0 [sflag:s5], $0x1  }
0xb2: {  	s4 =	sor.u32 @!p0 s4, s6;
	[sflag:s5] =	ssyncadd.s32 @!p0 $0xFFFFFFFF  }
0xb3: {  	s25 =	simm.s32 $0x1B8E;
	s24 =	sld [smem:$0x3FFE];
	[sflag:s4] =	ssyncadd.remote.s32 @!p0 $0x1  }
0xb4: {  	s26 =	simm.s32 $execute0_lowered;
	[smem:$0x3FD2] =	sst s25  }
0xb5: {  	s5 =	sshll.u32 s26, $0x1;
	_ =	strace $0x80000049;
	[dreg:$0x1] =	wrdreg $0xFFFFFFFF  }
0xb6: {  	s28 =	simm.s32 $_size_execute0_lowered;
	s3 =	sadd.s32 s3, s5;
	[dreg:$0x0] =	wrdreg $0x0  }
0xb7: {  	s5 =	sshll.u32 s28, $0x1;
	[dreg:$0x2] =	wrdreg s3  }
0xb8: {  	[dreg:$0x3] =	wrdreg s5  }
0xb9: {  	[dreg:$0x4] =	wrdreg $0xC0  }
0xba: {  	_ =	task [dreg:s22], $0x5FFFF  }
0xbb: {  	[dreg:$0x1] =	wrdreg $0xFFFFFFFF  }
0xbc: {  	[dreg:$0x0] =	wrdreg $0x60  }
0xbd: {  	[dreg:$0x2] =	wrdreg s24  }
0xbe: {  	[dreg:$0x3] =	wrdreg $0xA  }
0xbf: {  	_ =	task.clear_ibuf [dreg:s22], $0x4FFFF;
	_ =	strace $0x90000049  }
0xc0: {  	s29 =	simm.s32 $0xA;
	_ =	strace $0x8000004B  }
0xc1: {  	_ =	swait.ge [sflag:s29], $0x1  }
0xc2: {  	[sflag:s29] =	ssyncadd.s32 $0xFFFFFFFF  }
0xc3: {  	_ =	strace $0x9000004B  }
0xc4: {  	_ =	sfence  }
0xc5: {  	s30 =	sld [smem:$0x0];
	_ =	sdelay $0x2  }
0xc6: {  	s31 =	sshll.u32 s1, $0xD;
	s1 =	sshrl.u32 s1, $0x2  }
0xc7: {  	s4 =	sand.u32 $0x4000, s31;
	s1 =	sadd.s32 s1, s30  }
0xc8: {  	s0 =	sor.u32 s4, s0;
	s1 =	sshll.u32 s1, $0x11  }
0xc9: {  	s0 =	sor.u32 s1, s0  }
0xca: {  	s0 =	sadd.s32 $0x8F2B, s0  }
0xcb: {  	[sflag:s0] =	ssyncadd.remote.s32 $0x1  }
0xcc: {  	_ =	sfence.sel $0xFFFF  }
0xcd: {  	[dreg:$0x0] =	wrdreg $0xFFFFFFFF;
	(pc) =	sbr.abs _section_cstart, $3  }
0xce: {  	[dreg:$0x1] =	wrdreg $0xFFFFFFFF  }
0xcf: {  	_ =	task.clear_ibuf [dreg:s22], $0x2FFFF;
	_ =	strace $0x9FFFFFFF  }
0xd0: {  	(tm) =	ssettm $0x7FFFFFFF  }
0xd1: {  	_ =	shalt  }
tec
execute0_lowered:
.L_overlay_start_1:
0x0: {  	(tag) =	ssettag $0x1  }
0x1: {  	s1 =	srdreg.scid  }
0x2: {  	s0 =	stileid.u32;
	s17 =	sand.u32 $0x1, s1  }
0x3: {  	s29 =	sshll.u32 s0, $0xA;
	s2 =	sshll.u32 s17, $0x9  }
0x4: {  	s18 =	rddreg [dreg:$0x0];
	s19 =	sor.u32 s2, s29  }
0x5: {  	s1 =	rddreg [dreg:$0x1];
	s2 =	simm.s32 $0x0;
	s3 =	sshrl.u32 s19, $0x3  }
0x6: {  	[smem:$0x7FF] =	sst s2;
	s9 =	sadd.s32 s3, s18  }
0x7: {  	_ =	strace $0x8000004A;
	s3 =	simm.s32 $0x2;
	s4 =	sadd.s32 $0x3E3200, s9  }
0x8: {  	[tilespmem:s2], [sflag:$0x2] =	stream.linear.gather [hbm4b:s4+s2], $0x80, $0x38;
	[tilespmem:$0x10200] =	vst v63  }
0x9: {  	_ =	swait.ge [sflag:s3], $0x80  }
0xa: {  	[sflag:s3] =	ssyncset.done $0x0  }
0xb: {  	s6 =	simm.s32 $0x80;
	s5 =	sadd.s32 $0x3E3210, s9;
	[sflag:s3] =	ssyncadd.s32 $0xFFFFFF80  }
0xc: {  	[tilespmem:s6], [sflag:$0x2] =	stream.linear.gather [hbm4b:s5+s2], $0x80, $0x38;
	[tilespmem:$0x10200] =	vst v63  }
0xd: {  	_ =	swait.ge [sflag:s3], $0x80  }
0xe: {  	[sflag:s3] =	ssyncset.done $0x0  }
0xf: {  	s8 =	simm.s32 $0x100;
	s7 =	sadd.s32 $0x3E3220, s9;
	[sflag:s3] =	ssyncadd.s32 $0xFFFFFF80  }
0x10: {  	[tilespmem:s8], [sflag:$0x2] =	stream.linear.gather [hbm4b:s7+s2], $0x80, $0x38;
	[tilespmem:$0x10200] =	vst v63  }
0x11: {  	_ =	swait.ge [sflag:s3], $0x80  }
0x12: {  	[sflag:s3] =	ssyncset.done $0x0  }
0x13: {  	s10 =	simm.s32 $0x180;
	s9 =	sadd.s32 $0x3E3230, s9;
	[sflag:s3] =	ssyncadd.s32 $0xFFFFFF80  }
0x14: {  	[tilespmem:s10], [sflag:$0x2] =	stream.linear.gather [hbm4b:s9+s2], $0x80, $0x38;
	[tilespmem:$0x10200] =	vst v63  }
0x15: {  	_ =	swait.ge [sflag:s3], $0x80  }
0x16: {  	[sflag:s3] =	ssyncset.done $0x0  }
0x17: {  	s12 =	simm.s32 $0x200;
	s11 =	sadd.s32 $0x423A00, s18;
	[sflag:s3] =	ssyncadd.s32 $0xFFFFFF80  }
0x18: {  	[tilespmem:s12], [sflag:$0x1] =	stream.indirect.gather [hbm4b:s11+s6], $0x80, s2, s6, $0xb8;
	[tilespmem:$0x10200] =	vst v63  }
0x19: {  	s13 =	simm.s32 $0x4200  }
0x1a: {  	[tilespmem:s13], [sflag:$0x1] =	stream.indirect.gather [hbm4b:s11+s6], $0x80, s6, s6, $0xb8;
	[tilespmem:$0x10200] =	vst v63  }
0x1b: {  	s14 =	simm.s32 $0x8200  }
0x1c: {  	[tilespmem:s14], [sflag:$0x1] =	stream.indirect.gather [hbm4b:s11+s6], $0x80, s8, s6, $0xb8;
	[tilespmem:$0x10200] =	vst v63  }
0x1d: {  	s15 =	simm.s32 $0xC200;
	s16 =	simm.s32 $0x1  }
0x1e: {  	[tilespmem:s15], [sflag:$0x1] =	stream.indirect.gather [hbm4b:s11+s6], $0x80, s10, s6, $0xb8;
	[tilespmem:$0x10200] =	vst v63  }
0x1f: {  	_ =	swait.ge [sflag:s16], $0x4000  }
0x20: {  	[sflag:s16] =	ssyncset.done $0x0  }
0x21: {  	[sflag:s16] =	ssyncadd.s32 $0xFFFFC000  }
0x22: {  	_ =	swait.ge [sflag:s16], $0x4000  }
0x23: {  	[sflag:s16] =	ssyncset.done $0x0  }
0x24: {  	s17 =	ssub.s32 $0x2, s17;
	[sflag:s16] =	ssyncadd.s32 $0xFFFFC000  }
0x25: {  	s20 =	sshrl.u32 s17, $0x1;
	_ =	swait.ge [sflag:s16], $0x4000  }
0x26: {  	s30 =	ssub.s32 s17, s20;
	[sflag:s16] =	ssyncset.done $0x0  }
0x27: {  	s31 =	smax.u32 s30, $0x1;
	[sflag:s16] =	ssyncadd.s32 $0xFFFFC000  }
0x28: {  	s19 =	sshll.u32 s19, $0x4;
	p0 =	sne.s32 s31, $0x1;
	_ =	swait.ge [sflag:s16], $0x4000  }
.Ltmp0:
0x29: {  	s18 =	sadd.s32 s19, s18;
	[sflag:s16] =	ssyncset.done $0x0;
	(pc) =	sbr.rel @!p0 .LBB2_2-.Ltmp0, $4  }
0x2a: {  	s17 =	sadd.s32 $0x803A00, s18;
	[sflag:s16] =	ssyncadd.s32 $0xFFFFC000  }
0x2b: {  	[hbm4b:s17+s2] =	stream.linear.scatter [tilespmem:s12], [sflag:$0x2], $0x10000, $0x38;
	[tilespmem:$0x10200] =	vst v63  }
0x2c: {  	_ =	swait.ge [sflag:s3], $0x10000  }
0x2d: {  	s18 =	sadd.s32 $0xFFFFFFFF, s31;
	[sflag:s3] =	ssyncset.done $0x0  }
.LBB2_1:
0x2e: {  	p0 =	sne.s32 s18, $0x1;
	s18 =	sadd.s32 $0xFFFFFFFF, s18;
	[sflag:s3] =	ssyncadd.s32 $0xFFFF0000  }
0x2f: {  	[tilespmem:s2], [sflag:$0x2] =	stream.linear.gather [hbm4b:s4+s2], $0x80, $0x38;
	[tilespmem:$0x10200] =	vst v63  }
0x30: {  	_ =	swait.ge [sflag:s3], $0x80  }
0x31: {  	[sflag:s3] =	ssyncset.done $0x0  }
0x32: {  	[sflag:s3] =	ssyncadd.s32 $0xFFFFFF80  }
0x33: {  	[tilespmem:s6], [sflag:$0x2] =	stream.linear.gather [hbm4b:s5+s2], $0x80, $0x38;
	[tilespmem:$0x10200] =	vst v63  }
0x34: {  	_ =	swait.ge [sflag:s3], $0x80  }
0x35: {  	[sflag:s3] =	ssyncset.done $0x0  }
0x36: {  	[sflag:s3] =	ssyncadd.s32 $0xFFFFFF80  }
0x37: {  	[tilespmem:s8], [sflag:$0x2] =	stream.linear.gather [hbm4b:s7+s2], $0x80, $0x38;
	[tilespmem:$0x10200] =	vst v63  }
0x38: {  	_ =	swait.ge [sflag:s3], $0x80  }
0x39: {  	[sflag:s3] =	ssyncset.done $0x0  }
0x3a: {  	[sflag:s3] =	ssyncadd.s32 $0xFFFFFF80  }
0x3b: {  	[tilespmem:s10], [sflag:$0x2] =	stream.linear.gather [hbm4b:s9+s2], $0x80, $0x38;
	[tilespmem:$0x10200] =	vst v63  }
0x3c: {  	_ =	swait.ge [sflag:s3], $0x80  }
0x3d: {  	[sflag:s3] =	ssyncset.done $0x0  }
0x3e: {  	[sflag:s3] =	ssyncadd.s32 $0xFFFFFF80  }
0x3f: {  	[tilespmem:s12], [sflag:$0x1] =	stream.indirect.gather [hbm4b:s11+s6], $0x80, s2, s6, $0xb8;
	[tilespmem:$0x10200] =	vst v63  }
0x40: {  	_ = 	snop  }
0x41: {  	[tilespmem:s13], [sflag:$0x1] =	stream.indirect.gather [hbm4b:s11+s6], $0x80, s6, s6, $0xb8;
	[tilespmem:$0x10200] =	vst v63  }
0x42: {  	_ = 	snop  }
0x43: {  	[tilespmem:s14], [sflag:$0x1] =	stream.indirect.gather [hbm4b:s11+s6], $0x80, s8, s6, $0xb8;
	[tilespmem:$0x10200] =	vst v63  }
0x44: {  	_ = 	snop  }
0x45: {  	[tilespmem:s15], [sflag:$0x1] =	stream.indirect.gather [hbm4b:s11+s6], $0x80, s10, s6, $0xb8;
	[tilespmem:$0x10200] =	vst v63  }
0x46: {  	_ =	swait.ge [sflag:s16], $0x4000  }
0x47: {  	[sflag:s16] =	ssyncset.done $0x0  }
0x48: {  	[sflag:s16] =	ssyncadd.s32 $0xFFFFC000  }
0x49: {  	_ =	swait.ge [sflag:s16], $0x4000  }
0x4a: {  	[sflag:s16] =	ssyncset.done $0x0  }
0x4b: {  	[sflag:s16] =	ssyncadd.s32 $0xFFFFC000  }
0x4c: {  	_ =	swait.ge [sflag:s16], $0x4000  }
0x4d: {  	[sflag:s16] =	ssyncset.done $0x0  }
0x4e: {  	[sflag:s16] =	ssyncadd.s32 $0xFFFFC000  }
0x4f: {  	_ =	swait.ge [sflag:s16], $0x4000  }
.Ltmp1:
0x50: {  	[sflag:s16] =	ssyncset.done $0x0;
	(pc) =	sbr.rel @p0 .LBB2_1-.Ltmp1, $4  }
0x51: {  	[sflag:s16] =	ssyncadd.s32 $0xFFFFC000  }
0x52: {  	[hbm4b:s17+s2] =	stream.linear.scatter [tilespmem:s12], [sflag:$0x2], $0x10000, $0x38;
	[tilespmem:$0x10200] =	vst v63  }
0x53: {  	_ =	swait.ge [sflag:s3], $0x10000  }
0x54: {  	[sflag:s3] =	ssyncset.done $0x0  }
.LBB2_2:
0x55: {  	[sflag:s3] =	ssyncadd.s32 $0xFFFF0000  }
0x56: {  	_ =	sfence.sel $0x180000  }
0x57: {  	[bflag:$0x0] =	sbarrier.arrive $0xFFFF  }
0x58: {  	p0 =	sne.s32 s0, $0x0;
	_ =	strace $0x9000004A  }
0x59: {  	s0 =	sadd.s32 @!p0 $0x100000, s1;
	[bflag:$0x2] =	sbarrier.arrive $0xFFFF  }
0x5a: {  	[sflag:s0] =	ssyncadd.tile.s32 @!p0 $0x1;
	_ =	shalt  }
.Lfunc_end2:
_tile_overlayer_lowered:
.L_overlay_start_2:
0x5b: {  	(tag) =	ssettag $0x2  }
0x5c: {  	s0 =	rddreg [dreg:$0x0];
	s2 =	stileid.u32  }
0x5d: {  	s1 =	rddreg [dreg:$0x1];
	p0 =	sne.s32 s2, $0x0  }
0x5e: {  	s3 =	rddreg [dreg:$0x2];
	[bflag:$0x3] =	sbarrier.arrive $0xFFFF;
	s2 =	simm.s32 @!p0 $0x1C02  }
0x5f: {  	[timem:s3], [sflag:s2] =	dma.local @!p0 [hbm:s0], s1  }
0x60: {  	s0 =	simm.s32 @!p0 $0x2  }
0x61: {  	_ =	swait.ge @!p0 [sflag:s0], s1  }
0x62: {  	s1 =	ssub.s32 @!p0 $0x0, s1;
	[sflag:s0] =	ssyncset.done @!p0 $0x0  }
0x63: {  	[sflag:s0] =	ssyncadd.s32 @!p0 s1  }
0x64: {  	[bflag:$0x3] =	sbarrier.arrive $0xFFFF  }
0x65: {  	_ =	shalt  }

// kernel: kernel.7.cloned.1.call-start
scs
__scs_entry_jumppad:
0x0: {  	(pc) =	sbr.rel $0x88, $3  }
0x1: {  	(tag) =	ssettag $0x0;
	lr =	simm.s32 $0x1  }
0x2: {  	[smem:$0x3F97] =	sst lr;
	_ =	strace $0xD0000000  }
0x3: {  	_ = 	snop  }
0x4: {  	_ = 	snop  }
0x5: {  	_ = 	snop  }
0x6: {  	_ = 	snop  }
0x7: {  	_ = 	snop  }
__scs_overlays_trampoline_lowered:
0x8: {  	[smem:$0x3FA6] =	sst s0  }
0x9: {  	[smem:$0x3FA7] =	sst s1  }
0xa: {  	[smem:$0x3FA8] =	sst s2  }
0xb: {  	[smem:$0x3FA9] =	sst s3  }
0xc: {  	[smem:$0x3FAA] =	sst s4  }
0xd: {  	[smem:$0x3FAB] =	sst s5  }
0xe: {  	[smem:$0x3FAC] =	sst s6  }
0xf: {  	[smem:$0x3FAD] =	sst s7  }
0x10: {  	[smem:$0x3FAE] =	sst s8  }
0x11: {  	[smem:$0x3FAF] =	sst s9;
	s0 =	simm.s32 @!p0 $0x0  }
0x12: {  	s1 =	sld [smem:$0x3F95];
	s0 =	simm.s32 @p0 $0x1  }
0x13: {  	[smem:$0x3FB0] =	sst s0;
	s0 =	simm.s32 @!p1 $0x0  }
0x14: {  	s2 =	sld [smem:$0x3F94];
	s0 =	simm.s32 @p1 $0x1  }
0x15: {  	[smem:$0x3FB1] =	sst s0;
	s0 =	simm.s32 @!p2 $0x0  }
0x16: {  	s3 =	sld [smem:$0x3FDB];
	s0 =	simm.s32 @p2 $0x1  }
0x17: {  	s4 =	simm.s32 $0x1BF5;
	[smem:$0x3FB3] =	sst s0  }
0x18: {  	s0 =	sld [smem:$0x3F96];
	_ =	swait.ge [sflag:s4], $0x0  }
0x19: {  	s7 =	sld [smem:$0x3F97]  }
0x1a: {  	s8 =	sadd.s32 $0xFFFFE003, lr  }
0x1b: {  	s9 =	sadd.s32 $0xFFFFFEF7, lr;
	s5 =	simm.s32 $0xFFFFFFFF;
	p2 =	slt.u32 s8, $0xFFFFF086  }
0x1c: {  	p1 =	slt.u32 s9, $0xF7A;
	s5 =	simm.s32 @!p2 $0x0  }
0x1d: {  	s5 =	simm.s32 @p1 $0x1;
	p0 =	seq.s32 s7, s2  }
0x1e: {  	s7 =	smul.u32 @!p0 $0xF7A, s2;
	p2 =	seq.s32 @!p0 s5, $0x0  }
0x1f: {  	s9 =	smul.u32 $0xF7A, s1;
	s8 =	simm.s32 @!p0 $0x1BF5;
	p2 =	por !p2, p0  }
0x20: {  	[sflag:s8] =	ssyncset.s32 @!p0 $0xFFFFF086;
	s6 =	sadd.s32 @!p0 s3, s7;
	s7 =	simm.s32 @!p0 $0x108  }
0x21: {  	s3 =	sadd.s32 s3, s9;
	s6 =	sadd.s32 @!p0 $0x88, s6;
	s7 =	simm.s32 @p2 $0x1082  }
0x22: {  	[simem:s7], [sflag:s8] =	dma.local @!p0 [hbm:s6], $0xF7A  }
0x23: {  	s9 =	sor.u32 $0xD0000000, s2;
	s6 =	simm.s32 $0x108;
	_ =	swait.ge @!p0 [sflag:s8], $0x0  }
0x24: {  	s3 =	sadd.s32 $0x88, s3;
	s6 =	simm.s32 @!p1 $0x1082;
	[sflag:s4] =	ssyncset.s32 $0xFFFFF086  }
0x25: {  	[simem:s6], [sflag:s4] =	dma.local [hbm:s3], $0xF7A  }
0x26: {  	[smem:$0x3F97] =	sst s1;
	(tag) =	ssettag s2;
	_ =	strace s9  }
0x27: {  	s1 =	sld [smem:$0x3FA7]  }
0x28: {  	s2 =	sld [smem:$0x3FA8]  }
0x29: {  	s4 =	sld [smem:$0x3FAA]  }
0x2a: {  	p0 =	seq.s32 s5, $0x0;
	s5 =	sld [smem:$0x3FAB]  }
0x2b: {  	s6 =	sld [smem:$0x3FAC]  }
0x2c: {  	s7 =	sld [smem:$0x3FAD]  }
0x2d: {  	s3 =	simm.s32 $0x108;
	s8 =	sld [smem:$0x3FAE]  }
0x2e: {  	s3 =	simm.s32 @!p0 $0x1082;
	s9 =	sld [smem:$0x3FAF]  }
0x2f: {  	lr =	sadd.s32 s0, s3;
	s0 =	sld [smem:$0x3FA6]  }
0x30: {  	s3 =	sld [smem:$0x3FA9]  }
0x31: {  	[smem:$0x3FB2] =	sst s10  }
0x32: {  	s10 =	sld [smem:$0x3FB0];
	_ =	sdelay $0x3  }
0x33: {  	p0 =	seq.s32 s10, $0x1;
	s10 =	sld [smem:$0x3FB2];
	_ =	sdelay $0x3  }
0x34: {  	[smem:$0x3FB2] =	sst s10  }
0x35: {  	s10 =	sld [smem:$0x3FB1];
	_ =	sdelay $0x3  }
0x36: {  	p1 =	seq.s32 s10, $0x1;
	s10 =	sld [smem:$0x3FB2];
	_ =	sdelay $0x3  }
0x37: {  	[smem:$0x3FB2] =	sst s10  }
0x38: {  	s10 =	sld [smem:$0x3FB3]  }
0x39: {  	_ = 	snop;
	(pc) =	sbr.ind lr, $3  }
0x3a: {  	_ = 	snop  }
0x3b: {  	_ = 	snop  }
0x3c: {  	p2 =	seq.s32 s10, $0x1;
	s10 =	sld [smem:$0x3FB2]  }
0x3d: {  	_ =	shalt  }
0x3e: {  	_ =	shalt  }
0x3f: {  	_ =	shalt  }
0x40: {  	_ =	shalt  }
0x41: {  	_ =	shalt  }
0x42: {  	_ =	shalt  }
0x43: {  	_ =	shalt  }
0x44: {  	_ =	shalt  }
0x45: {  	_ =	shalt  }
0x46: {  	_ =	shalt  }
0x47: {  	_ =	shalt  }
0x48: {  	_ =	shalt  }
0x49: {  	_ =	shalt  }
0x4a: {  	_ =	shalt  }
0x4b: {  	_ =	shalt  }
0x4c: {  	_ =	shalt  }
0x4d: {  	_ =	shalt  }
0x4e: {  	_ =	shalt  }
0x4f: {  	_ =	shalt  }
0x50: {  	_ =	shalt  }
0x51: {  	_ =	shalt  }
0x52: {  	_ =	shalt  }
0x53: {  	_ =	shalt  }
0x54: {  	_ =	shalt  }
0x55: {  	_ =	shalt  }
0x56: {  	_ =	shalt  }
0x57: {  	_ =	shalt  }
0x58: {  	_ =	shalt  }
0x59: {  	_ =	shalt  }
0x5a: {  	_ =	shalt  }
0x5b: {  	_ =	shalt  }
0x5c: {  	_ =	shalt  }
0x5d: {  	_ =	shalt  }
0x5e: {  	_ =	shalt  }
0x5f: {  	_ =	shalt  }
0x60: {  	_ =	shalt  }
0x61: {  	_ =	shalt  }
0x62: {  	_ =	shalt  }
0x63: {  	_ =	shalt  }
0x64: {  	_ =	shalt  }
0x65: {  	_ =	shalt  }
0x66: {  	_ =	shalt  }
0x67: {  	_ =	shalt  }
0x68: {  	_ =	shalt  }
0x69: {  	_ =	shalt  }
0x6a: {  	_ =	shalt  }
0x6b: {  	_ =	shalt  }
0x6c: {  	_ =	shalt  }
0x6d: {  	_ =	shalt  }
0x6e: {  	_ =	shalt  }
0x6f: {  	_ =	shalt  }
0x70: {  	_ =	shalt  }
0x71: {  	_ =	shalt  }
0x72: {  	_ =	shalt  }
0x73: {  	_ =	shalt  }
0x74: {  	_ =	shalt  }
0x75: {  	_ =	shalt  }
0x76: {  	_ =	shalt  }
0x77: {  	_ =	shalt  }
0x78: {  	_ =	shalt  }
0x79: {  	_ =	shalt  }
0x7a: {  	_ =	shalt  }
0x7b: {  	_ =	shalt  }
0x7c: {  	_ =	shalt  }
0x7d: {  	_ =	shalt  }
0x7e: {  	_ =	shalt  }
0x7f: {  	_ =	shalt  }
0x80: {  	_ =	shalt  }
0x81: {  	_ =	shalt  }
0x82: {  	_ =	shalt  }
0x83: {  	_ =	shalt  }
0x84: {  	_ =	shalt  }
0x85: {  	_ =	shalt  }
0x86: {  	_ =	shalt  }
0x87: {  	_ =	shalt  }
.Lfunc_end0:
.L_simem_size_0:
called_computation_lowered:
.L_overlay_start_0:
0x88: {  	s2 =	sld [smem:$0x3FD9]  }
0x89: {  	s3 =	sld [smem:$0x3FFE];
	_ =	sdelay $0x1  }
0x8a: {  	s1 =	srdreg.scid  }
0x8b: {  	s0 =	sand.u32 $0x1, s1  }
0x8c: {  	s16 =	sshll.u32 s0, $0xA;
	s2 =	sadd.s32 s3, s2  }
0x8d: {  	s2 =	sadd.s32 s2, s16  }
0x8e: {  	[smem:$0x3FBE] =	sst s2  }
0x8f: {  	_ = 	snop  }
0x90: {  	(tm) =	ssettm $0x1  }
0x91: {  	s17 =	sld [smem:$0x3FFB];
	_ =	sdelay $0x3  }
0x92: {  	_ =	strace s17  }
0x93: {  	s2 =	sld [smem:$0x3FFC];
	_ =	sdelay $0x3  }
0x94: {  	_ =	strace s2  }
0x95: {  	s2 =	sld [smem:$0x3FFD];
	_ =	sdelay $0x3  }
0x96: {  	_ =	strace s2  }
0x97: {  	_ =	strace $0x8FFFFFFF  }
0x98: {  	s18 =	sld [smem:$0x3FDB];
	_ =	sdelay $0x1  }
0x99: {  	s19 =	simm.s32 $_scs_section_size  }
0x9a: {  	s4 =	simm.s32 $_size__tile_overlayer_lowered;
	s5 =	simm.s32 $_tile_overlayer_lowered  }
0x9b: {  	s22 =	simm.s32 $0x1BFF;
	s21 =	sshll.u32 s5, $0x1;
	s2 =	sadd.s32 s19, s18  }
0x9c: {  	s6 =	simm.s32 $0x0;
	s20 =	sshll.u32 s4, $0x1;
	s4 =	sadd.s32 s21, s2  }
0x9d: {  	[timem:s6], [sflag:s22] =	dma.local [hbm:s4], s20  }
0x9e: {  	_ =	swait.ge [sflag:s22], s20  }
0x9f: {  	s3 =	ssub.s32 $0x0, s20;
	[sflag:s22] =	ssyncset.done $0x0  }
0xa0: {  	[sflag:s22] =	ssyncadd.s32 s3;
	_ =	sdelay $0x1  }
0xa1: {  	s23 =	simm.s32 $0x1B8B  }
0xa2: {  	_ =	swait.ge [sflag:s23], $0x1  }
0xa3: {  	[sflag:s23] =	ssyncset.done $0x0  }
0xa4: {  	s25 =	simm.s32 $0x1B8E;
	s24 =	sld [smem:$0x3FFE];
	[sflag:s23] =	ssyncadd.s32 $0xFFFFFFFF  }
0xa5: {  	s26 =	simm.s32 $execute0_lowered;
	[smem:$0x3FD2] =	sst s25  }
0xa6: {  	s4 =	sshll.u32 s26, $0x1;
	_ =	strace $0x80000046;
	[dreg:$0x1] =	wrdreg $0xFFFFFFFF  }
0xa7: {  	s28 =	simm.s32 $_size_execute0_lowered;
	s2 =	sadd.s32 s2, s4;
	[dreg:$0x0] =	wrdreg $0x0  }
0xa8: {  	s4 =	sshll.u32 s28, $0x1;
	[dreg:$0x2] =	wrdreg s2  }
0xa9: {  	[dreg:$0x3] =	wrdreg s4  }
0xaa: {  	[dreg:$0x4] =	wrdreg $0xC0  }
0xab: {  	_ =	task [dreg:s6], $0x5FFFF  }
0xac: {  	[dreg:$0x1] =	wrdreg $0xFFFFFFFF  }
0xad: {  	[dreg:$0x0] =	wrdreg $0x60  }
0xae: {  	[dreg:$0x2] =	wrdreg s24  }
0xaf: {  	[dreg:$0x3] =	wrdreg $0x9  }
0xb0: {  	_ =	task.clear_ibuf [dreg:s6], $0x4FFFF;
	_ =	strace $0x90000046  }
0xb1: {  	s29 =	simm.s32 $0x9;
	_ =	strace $0x80000048  }
0xb2: {  	_ =	swait.ge [sflag:s29], $0x1  }
0xb3: {  	[sflag:s29] =	ssyncadd.s32 $0xFFFFFFFF  }
0xb4: {  	_ =	strace $0x90000048  }
0xb5: {  	_ =	sfence  }
0xb6: {  	s30 =	sld [smem:$0x0];
	_ =	sdelay $0x2  }
0xb7: {  	s31 =	sshll.u32 s1, $0xD;
	s1 =	sshrl.u32 s1, $0x2  }
0xb8: {  	s3 =	sand.u32 $0x4000, s31;
	s1 =	sadd.s32 s1, s30  }
0xb9: {  	s0 =	sor.u32 s3, s0;
	s1 =	sshll.u32 s1, $0x11  }
0xba: {  	s0 =	sor.u32 s1, s0  }
0xbb: {  	s0 =	sadd.s32 $0x8F2B, s0  }
0xbc: {  	[sflag:s0] =	ssyncadd.remote.s32 $0x1  }
0xbd: {  	_ =	sfence.sel $0xFFFF  }
0xbe: {  	[dreg:$0x0] =	wrdreg $0xFFFFFFFF;
	(pc) =	sbr.abs _section_cstart, $3  }
0xbf: {  	[dreg:$0x1] =	wrdreg $0xFFFFFFFF  }
0xc0: {  	_ =	task.clear_ibuf [dreg:s6], $0x2FFFF;
	_ =	strace $0x9FFFFFFF  }
0xc1: {  	(tm) =	ssettm $0x7FFFFFFF  }
tec
execute0_lowered:
.L_overlay_start_1:
0x0: {  	(tag) =	ssettag $0x1  }
0x1: {  	s1 =	srdreg.scid  }
0x2: {  	s0 =	stileid.u32;
	s17 =	sand.u32 $0x1, s1  }
0x3: {  	s29 =	sshll.u32 s0, $0xA;
	s2 =	sshll.u32 s17, $0x9  }
0x4: {  	s18 =	rddreg [dreg:$0x0];
	s19 =	sor.u32 s2, s29  }
0x5: {  	s1 =	rddreg [dreg:$0x1];
	s2 =	simm.s32 $0x0;
	s3 =	sshrl.u32 s19, $0x3  }
0x6: {  	[smem:$0x7FF] =	sst s2;
	s9 =	sadd.s32 s3, s18  }
0x7: {  	_ =	strace $0x80000047;
	s3 =	simm.s32 $0x2;
	s4 =	sadd.s32 $0x3E2A00, s9  }
0x8: {  	[tilespmem:s2], [sflag:$0x2] =	stream.linear.gather [hbm4b:s4+s2], $0x80, $0x38;
	[tilespmem:$0x10200] =	vst v63  }
0x9: {  	_ =	swait.ge [sflag:s3], $0x80  }
0xa: {  	[sflag:s3] =	ssyncset.done $0x0  }
0xb: {  	s6 =	simm.s32 $0x80;
	s5 =	sadd.s32 $0x3E2A10, s9;
	[sflag:s3] =	ssyncadd.s32 $0xFFFFFF80  }
0xc: {  	[tilespmem:s6], [sflag:$0x2] =	stream.linear.gather [hbm4b:s5+s2], $0x80, $0x38;
	[tilespmem:$0x10200] =	vst v63  }
0xd: {  	_ =	swait.ge [sflag:s3], $0x80  }
0xe: {  	[sflag:s3] =	ssyncset.done $0x0  }
0xf: {  	s8 =	simm.s32 $0x100;
	s7 =	sadd.s32 $0x3E2A20, s9;
	[sflag:s3] =	ssyncadd.s32 $0xFFFFFF80  }
0x10: {  	[tilespmem:s8], [sflag:$0x2] =	stream.linear.gather [hbm4b:s7+s2], $0x80, $0x38;
	[tilespmem:$0x10200] =	vst v63  }
0x11: {  	_ =	swait.ge [sflag:s3], $0x80  }
0x12: {  	[sflag:s3] =	ssyncset.done $0x0  }
0x13: {  	s10 =	simm.s32 $0x180;
	s9 =	sadd.s32 $0x3E2A30, s9;
	[sflag:s3] =	ssyncadd.s32 $0xFFFFFF80  }
0x14: {  	[tilespmem:s10], [sflag:$0x2] =	stream.linear.gather [hbm4b:s9+s2], $0x80, $0x38;
	[tilespmem:$0x10200] =	vst v63  }
0x15: {  	_ =	swait.ge [sflag:s3], $0x80  }
0x16: {  	[sflag:s3] =	ssyncset.done $0x0  }
0x17: {  	s12 =	simm.s32 $0x200;
	s11 =	sadd.s32 $0x2200, s18;
	[sflag:s3] =	ssyncadd.s32 $0xFFFFFF80  }
0x18: {  	[tilespmem:s12], [sflag:$0x1] =	stream.indirect.gather [hbm4b:s11+s6], $0x80, s2, s6, $0xb8;
	[tilespmem:$0x10200] =	vst v63  }
0x19: {  	s13 =	simm.s32 $0x4200  }
0x1a: {  	[tilespmem:s13], [sflag:$0x1] =	stream.indirect.gather [hbm4b:s11+s6], $0x80, s6, s6, $0xb8;
	[tilespmem:$0x10200] =	vst v63  }
0x1b: {  	s14 =	simm.s32 $0x8200  }
0x1c: {  	[tilespmem:s14], [sflag:$0x1] =	stream.indirect.gather [hbm4b:s11+s6], $0x80, s8, s6, $0xb8;
	[tilespmem:$0x10200] =	vst v63  }
0x1d: {  	s15 =	simm.s32 $0xC200;
	s16 =	simm.s32 $0x1  }
0x1e: {  	[tilespmem:s15], [sflag:$0x1] =	stream.indirect.gather [hbm4b:s11+s6], $0x80, s10, s6, $0xb8;
	[tilespmem:$0x10200] =	vst v63  }
0x1f: {  	_ =	swait.ge [sflag:s16], $0x4000  }
0x20: {  	[sflag:s16] =	ssyncset.done $0x0  }
0x21: {  	[sflag:s16] =	ssyncadd.s32 $0xFFFFC000  }
0x22: {  	_ =	swait.ge [sflag:s16], $0x4000  }
0x23: {  	[sflag:s16] =	ssyncset.done $0x0  }
0x24: {  	s17 =	ssub.s32 $0x2, s17;
	[sflag:s16] =	ssyncadd.s32 $0xFFFFC000  }
0x25: {  	s20 =	sshrl.u32 s17, $0x1;
	_ =	swait.ge [sflag:s16], $0x4000  }
0x26: {  	s30 =	ssub.s32 s17, s20;
	[sflag:s16] =	ssyncset.done $0x0  }
0x27: {  	s31 =	smax.u32 s30, $0x1;
	[sflag:s16] =	ssyncadd.s32 $0xFFFFC000  }
0x28: {  	s19 =	sshll.u32 s19, $0x4;
	p0 =	sne.s32 s31, $0x1;
	_ =	swait.ge [sflag:s16], $0x4000  }
.Ltmp0:
0x29: {  	s18 =	sadd.s32 s19, s18;
	[sflag:s16] =	ssyncset.done $0x0;
	(pc) =	sbr.rel @!p0 .LBB2_2-.Ltmp0, $4  }
0x2a: {  	s17 =	sadd.s32 $0x3E3A00, s18;
	[sflag:s16] =	ssyncadd.s32 $0xFFFFC000  }
0x2b: {  	[hbm4b:s17+s2] =	stream.linear.scatter [tilespmem:s12], [sflag:$0x2], $0x10000, $0x38;
	[tilespmem:$0x10200] =	vst v63  }
0x2c: {  	_ =	swait.ge [sflag:s3], $0x10000  }
0x2d: {  	s18 =	sadd.s32 $0xFFFFFFFF, s31;
	[sflag:s3] =	ssyncset.done $0x0  }
.LBB2_1:
0x2e: {  	p0 =	sne.s32 s18, $0x1;
	s18 =	sadd.s32 $0xFFFFFFFF, s18;
	[sflag:s3] =	ssyncadd.s32 $0xFFFF0000  }
0x2f: {  	[tilespmem:s2], [sflag:$0x2] =	stream.linear.gather [hbm4b:s4+s2], $0x80, $0x38;
	[tilespmem:$0x10200] =	vst v63  }
0x30: {  	_ =	swait.ge [sflag:s3], $0x80  }
0x31: {  	[sflag:s3] =	ssyncset.done $0x0  }
0x32: {  	[sflag:s3] =	ssyncadd.s32 $0xFFFFFF80  }
0x33: {  	[tilespmem:s6], [sflag:$0x2] =	stream.linear.gather [hbm4b:s5+s2], $0x80, $0x38;
	[tilespmem:$0x10200] =	vst v63  }
0x34: {  	_ =	swait.ge [sflag:s3], $0x80  }
0x35: {  	[sflag:s3] =	ssyncset.done $0x0  }
0x36: {  	[sflag:s3] =	ssyncadd.s32 $0xFFFFFF80  }
0x37: {  	[tilespmem:s8], [sflag:$0x2] =	stream.linear.gather [hbm4b:s7+s2], $0x80, $0x38;
	[tilespmem:$0x10200] =	vst v63  }
0x38: {  	_ =	swait.ge [sflag:s3], $0x80  }
0x39: {  	[sflag:s3] =	ssyncset.done $0x0  }
0x3a: {  	[sflag:s3] =	ssyncadd.s32 $0xFFFFFF80  }
0x3b: {  	[tilespmem:s10], [sflag:$0x2] =	stream.linear.gather [hbm4b:s9+s2], $0x80, $0x38;
	[tilespmem:$0x10200] =	vst v63  }
0x3c: {  	_ =	swait.ge [sflag:s3], $0x80  }
0x3d: {  	[sflag:s3] =	ssyncset.done $0x0  }
0x3e: {  	[sflag:s3] =	ssyncadd.s32 $0xFFFFFF80  }
0x3f: {  	[tilespmem:s12], [sflag:$0x1] =	stream.indirect.gather [hbm4b:s11+s6], $0x80, s2, s6, $0xb8;
	[tilespmem:$0x10200] =	vst v63  }
0x40: {  	_ = 	snop  }
0x41: {  	[tilespmem:s13], [sflag:$0x1] =	stream.indirect.gather [hbm4b:s11+s6], $0x80, s6, s6, $0xb8;
	[tilespmem:$0x10200] =	vst v63  }
0x42: {  	_ = 	snop  }
0x43: {  	[tilespmem:s14], [sflag:$0x1] =	stream.indirect.gather [hbm4b:s11+s6], $0x80, s8, s6, $0xb8;
	[tilespmem:$0x10200] =	vst v63  }
0x44: {  	_ = 	snop  }
0x45: {  	[tilespmem:s15], [sflag:$0x1] =	stream.indirect.gather [hbm4b:s11+s6], $0x80, s10, s6, $0xb8;
	[tilespmem:$0x10200] =	vst v63  }
0x46: {  	_ =	swait.ge [sflag:s16], $0x4000  }
0x47: {  	[sflag:s16] =	ssyncset.done $0x0  }
0x48: {  	[sflag:s16] =	ssyncadd.s32 $0xFFFFC000  }
0x49: {  	_ =	swait.ge [sflag:s16], $0x4000  }
0x4a: {  	[sflag:s16] =	ssyncset.done $0x0  }
0x4b: {  	[sflag:s16] =	ssyncadd.s32 $0xFFFFC000  }
0x4c: {  	_ =	swait.ge [sflag:s16], $0x4000  }
0x4d: {  	[sflag:s16] =	ssyncset.done $0x0  }
0x4e: {  	[sflag:s16] =	ssyncadd.s32 $0xFFFFC000  }
0x4f: {  	_ =	swait.ge [sflag:s16], $0x4000  }
.Ltmp1:
0x50: {  	[sflag:s16] =	ssyncset.done $0x0;
	(pc) =	sbr.rel @p0 .LBB2_1-.Ltmp1, $4  }
0x51: {  	[sflag:s16] =	ssyncadd.s32 $0xFFFFC000  }
0x52: {  	[hbm4b:s17+s2] =	stream.linear.scatter [tilespmem:s12], [sflag:$0x2], $0x10000, $0x38;
	[tilespmem:$0x10200] =	vst v63  }
0x53: {  	_ =	swait.ge [sflag:s3], $0x10000  }
0x54: {  	[sflag:s3] =	ssyncset.done $0x0  }
.LBB2_2:
0x55: {  	[sflag:s3] =	ssyncadd.s32 $0xFFFF0000  }
0x56: {  	_ =	sfence.sel $0x180000  }
0x57: {  	[bflag:$0x0] =	sbarrier.arrive $0xFFFF  }
0x58: {  	p0 =	sne.s32 s0, $0x0;
	_ =	strace $0x90000047  }
0x59: {  	s0 =	sadd.s32 @!p0 $0x100000, s1;
	[bflag:$0x2] =	sbarrier.arrive $0xFFFF  }
0x5a: {  	[sflag:s0] =	ssyncadd.tile.s32 @!p0 $0x1;
	_ =	shalt  }
.Lfunc_end2:
_tile_overlayer_lowered:
.L_overlay_start_2:
0x5b: {  	(tag) =	ssettag $0x2  }
0x5c: {  	s0 =	rddreg [dreg:$0x0];
	s2 =	stileid.u32  }
0x5d: {  	s1 =	rddreg [dreg:$0x1];
	p0 =	sne.s32 s2, $0x0  }
0x5e: {  	s3 =	rddreg [dreg:$0x2];
	[bflag:$0x3] =	sbarrier.arrive $0xFFFF;
	s2 =	simm.s32 @!p0 $0x1C02  }
0x5f: {  	[timem:s3], [sflag:s2] =	dma.local @!p0 [hbm:s0], s1  }
0x60: {  	s0 =	simm.s32 @!p0 $0x2  }
0x61: {  	_ =	swait.ge @!p0 [sflag:s0], s1  }
0x62: {  	s1 =	ssub.s32 @!p0 $0x0, s1;
	[sflag:s0] =	ssyncset.done @!p0 $0x0  }
0x63: {  	[sflag:s0] =	ssyncadd.s32 @!p0 s1  }
0x64: {  	[bflag:$0x3] =	sbarrier.arrive $0xFFFF  }
0x65: {  	_ =	shalt  }

</sc_bundles>
